<compile_context>
chip_gen: v7x
topology: tpu7x:2x2x1
jax: 0.10.2.dev20260603
libtpu: 0.0.44.dev20260713+nightly
codegen_flags: <defaults>
</compile_context>

<pallas_src>
import jax
import jax.numpy as jnp
from jax import lax
from jax.experimental import pallas as pl
from jax.experimental.pallas import tpu as pltpu
from jax.experimental.pallas import tpu_sc as plsc

_NW = 32
_BM = 1024


def _logits_body(x_ref, wt_ref, b_ref, out_ref):
    lgt = lax.dot_general(
        x_ref[...], wt_ref[...], (((1,), (1,)), ((), ())),
        preferred_element_type=jnp.float32) + b_ref[...]
    experts = lgt.shape[1]
    for j in range(lgt.shape[0] // 128):
        out_ref[pl.ds(j * experts, experts), :] = lgt[j * 128:(j + 1) * 128, :].T


def _router_body(logits_hbm, i1_hbm, i2_hbm, w1_hbm, w2_hbm,
                 lbuf, i1b, i2b, w1b, w2b):
    flat = logits_hbm.shape[0]
    experts = 16
    chunk = flat // experts // _NW
    wid = lax.axis_index("s") * 2 + lax.axis_index("c")
    base = wid * chunk
    pltpu.sync_copy(logits_hbm.at[pl.ds(base * experts, chunk * experts)], lbuf)
    lane = lax.iota(jnp.int32, 16)

    def group(g, carry):
        gbase = lane + (lax.div(g, 8) * 2048 + lax.rem(g, 8) * 16)
        zero = jnp.zeros((16,), jnp.int32)
        one = jnp.ones((16,), jnp.int32)
        v0 = plsc.load_gather(lbuf, [gbase])
        v1 = plsc.load_gather(lbuf, [gbase + 128])
        sw = v1 > v0
        m1 = jnp.where(sw, v1, v0)
        i1 = jnp.where(sw, one, zero)
        m2 = jnp.where(sw, v0, v1)
        i2 = jnp.where(sw, zero, one)
        for e in range(2, experts):
            ev = jnp.full((16,), e, jnp.int32)
            v = plsc.load_gather(lbuf, [gbase + e * 128])
            gt1 = v > m1
            gt2 = v > m2
            m2 = jnp.where(gt1, m1, jnp.where(gt2, v, m2))
            i2 = jnp.where(gt1, i1, jnp.where(gt2, ev, i2))
            m1 = jnp.where(gt1, v, m1)
            i1 = jnp.where(gt1, ev, i1)
        ex = jnp.exp(m2 - m1)
        w1 = 1.0 / (1.0 + ex)
        sl = pl.ds(g * 16, 16)
        i1b[sl] = i1
        i2b[sl] = i2
        w1b[sl] = w1
        w2b[sl] = 1.0 - w1
        return carry

    lax.fori_loop(0, chunk // 16, group, 0)
    pltpu.sync_copy(i1b, i1_hbm.at[pl.ds(base, chunk)])
    pltpu.sync_copy(i2b, i2_hbm.at[pl.ds(base, chunk)])
    pltpu.sync_copy(w1b, w1_hbm.at[pl.ds(base, chunk)])
    pltpu.sync_copy(w2b, w2_hbm.at[pl.ds(base, chunk)])


def kernel(x, W, b):
    batch, seq, feat = x.shape
    tokens = batch * seq
    experts = W.shape[0]
    xf = x.reshape(tokens, feat)
    pack = 128 // experts

    logits8 = pl.pallas_call(
        _logits_body,
        grid=(tokens // _BM,),
        in_specs=[
            pl.BlockSpec((_BM, feat), lambda i: (i, 0)),
            pl.BlockSpec((experts, feat), lambda i: (0, 0)),
            pl.BlockSpec((1, experts), lambda i: (0, 0)),
        ],
        out_specs=pl.BlockSpec((_BM // pack, 128), lambda i: (i, 0)),
        out_shape=jax.ShapeDtypeStruct((tokens // pack, 128), jnp.float32),
    )(xf, W, b.reshape(1, experts))

    chunk = tokens // _NW
    router = pl.kernel(
        _router_body,
        out_type=(jax.ShapeDtypeStruct((tokens,), jnp.int32),
                  jax.ShapeDtypeStruct((tokens,), jnp.int32),
                  jax.ShapeDtypeStruct((tokens,), jnp.float32),
                  jax.ShapeDtypeStruct((tokens,), jnp.float32)),
        mesh=plsc.VectorSubcoreMesh(core_axis_name="c", subcore_axis_name="s"),
        compiler_params=pltpu.CompilerParams(needs_layout_passes=False),
        scratch_types=[
            pltpu.VMEM((chunk * experts,), jnp.float32),
            pltpu.VMEM((chunk,), jnp.int32),
            pltpu.VMEM((chunk,), jnp.int32),
            pltpu.VMEM((chunk,), jnp.float32),
            pltpu.VMEM((chunk,), jnp.float32),
        ],
    )
    i1, i2, w1, w2 = router(logits8.reshape(tokens * experts))
    idx = jnp.stack([i1, i2], axis=-1).reshape(batch, seq, 2)
    wts = jnp.stack([w1, w2], axis=-1).reshape(batch, seq, 2)
    return idx, wts

# --- scband reference (transcript-rebuilt; emitter-appended) ---
"""Pipeline reference for scband-top-kperceptron-router-44401371906542 (READ-ONLY COPY).

The authoritative reference and input builder live on the scoring server;
editing this copy changes nothing except your own understanding.
"""

import jax, jax.numpy as jnp
import numpy as np

TOP_K = 2

def setup_inputs(seed: int = 0) -> dict:
    key = jax.random.key(seed)
    k1, k2 = jax.random.split(key, 2)
    x = jax.random.normal(k1, (4, 4096, 2048), dtype=jnp.float32)
    W = jax.random.normal(k2, (16, 2048), dtype=jnp.float32) * 0.02
    b = jnp.zeros((16,), dtype=jnp.float32)
    return {"x": x, "W": W, "b": b}

def reference(x, W, b):
    batch_size, seq_len, feature_dim = x.shape
    xf = x.reshape(-1, feature_dim)
    logits = xf @ W.T + b
    top_k_values, _ = jax.lax.top_k(logits, TOP_K)
    min_top_k_values = top_k_values[:, -1:]
    modified_logits = jnp.where(logits >= min_top_k_values, logits, -jnp.inf)
    softmax_values = jax.nn.softmax(modified_logits, axis=1)
    top_k_expert_weights, top_k_experts_idx = jax.lax.top_k(softmax_values, TOP_K)
    top_k_experts_idx = top_k_experts_idx.reshape(batch_size, seq_len, TOP_K)
    top_k_expert_weights = top_k_expert_weights.reshape(batch_size, seq_len, TOP_K)
    return (top_k_experts_idx, top_k_expert_weights)

if __name__ == "__main__":
    import jax
    _d = setup_inputs()
    print(jax.jit(kernel)(*tuple(_d.values())))

</pallas_src>

<mosaic_0001>
#map = affine_map<(d0, d1) -> (0)>
module attributes {stable_mosaic.version = 14 : i64} {
  func.func @_router_body(%arg0: i32, %arg1: i32, %arg2: memref<262144xf32, #tpu.memory_space<hbm>>, %arg3: memref<16384xi32, #tpu.memory_space<hbm>>, %arg4: memref<16384xi32, #tpu.memory_space<hbm>>, %arg5: memref<16384xf32, #tpu.memory_space<hbm>>, %arg6: memref<16384xf32, #tpu.memory_space<hbm>>, %arg7: memref<8192xf32, #tpu.memory_space<vmem>>, %arg8: memref<512xi32, #tpu.memory_space<vmem>>, %arg9: memref<512xi32, #tpu.memory_space<vmem>>, %arg10: memref<512xf32, #tpu.memory_space<vmem>>, %arg11: memref<512xf32, #tpu.memory_space<vmem>>) attributes {dimension_semantics = [#tpu.dimension_semantics<core_parallel>, #tpu.dimension_semantics<subcore_parallel>], iteration_bounds = array<i64: 2, 16>, scalar_prefetch = 0 : i64, scratch_operands = 5 : i64, tpu.core_type = #tpu.core_type<sc_vector_subcore>, window_params = [{transform_indices = #map}, {transform_indices = #map}, {transform_indices = #map}, {transform_indices = #map}, {transform_indices = #map}]} {
    %mul3A = arith.constant 2 : i32
    %mul3A_0 = arith.muli %arg1, %mul3A : i32
    %add3A = arith.addi %mul3A_0, %arg0 : i32
    %mul3A_1 = arith.constant 512 : i32
    %mul3A_2 = arith.muli %add3A, %mul3A_1 : i32
    %mul3A_3 = arith.constant 16 : i32
    %mul3A_4 = arith.muli %mul3A_2, %mul3A_3 : i32
    "tpu.region"() ({
      %run_scoped3A = tpu.sem_alloc : memref<!tpu.dma_semaphore, #tpu.memory_space<semaphore_mem>>
      %dma_start3A = tpu.memref_slice %arg2[%mul3A_4] : memref<262144xf32, #tpu.memory_space<hbm>> -> memref<8192xf32, #tpu.memory_space<hbm>>
      %dma_start3A_10 = tpu.memref_slice %arg2[%mul3A_4] : memref<262144xf32, #tpu.memory_space<hbm>> -> memref<8192xf32, #tpu.memory_space<hbm>>
      tpu.enqueue_dma source(%dma_start3A_10 : memref<8192xf32, #tpu.memory_space<hbm>>) target(%arg7 : memref<8192xf32, #tpu.memory_space<vmem>>) target_semaphore(%run_scoped3A : memref<!tpu.dma_semaphore, #tpu.memory_space<semaphore_mem>>)
      %dma_wait3A = tpu.memref_slice %arg2[%mul3A_4] : memref<262144xf32, #tpu.memory_space<hbm>> -> memref<8192xf32, #tpu.memory_space<hbm>>
      %dma_wait3A_11 = tpu.memref_slice %arg2[%mul3A_4] : memref<262144xf32, #tpu.memory_space<hbm>> -> memref<8192xf32, #tpu.memory_space<hbm>>
      tpu.wait_dma2 semaphore(%run_scoped3A : memref<!tpu.dma_semaphore, #tpu.memory_space<semaphore_mem>>) src(%dma_wait3A_11 : memref<8192xf32, #tpu.memory_space<hbm>>) dst(%arg7 : memref<8192xf32, #tpu.memory_space<vmem>>)
      tpu.yield
    }) : () -> ()
    %iota3A = tpu.iota {dimensions = array<i32: 0>} : vector<16xi32>
    %scan3A = arith.constant 0 : i32
    %scan3A_5 = arith.constant 0 : i32
    %scan3A_6 = arith.constant 32 : i32
    %scan3A_7 = arith.addi %scan3A_5, %scan3A_6 : i32
    %scan3A_8 = arith.constant 1 : i32
    scf.for %scan3A_10 = %scan3A_5 to %scan3A_7 step %scan3A_8  : i32 {
      %div3A = arith.constant 8 : i32
      %div3A_11 = arith.divsi %scan3A_10, %div3A : i32
      %mul3A_12 = arith.constant 2048 : i32
      %mul3A_13 = arith.muli %div3A_11, %mul3A_12 : i32
      %rem3A = arith.constant 8 : i32
      %rem3A_14 = arith.remsi %scan3A_10, %rem3A : i32
      %mul3A_15 = arith.constant 16 : i32
      %mul3A_16 = arith.muli %rem3A_14, %mul3A_15 : i32
      %add3A_17 = arith.addi %mul3A_13, %mul3A_16 : i32
      %add3A_18 = vector.broadcast %add3A_17 : i32 to vector<16xi32>
      %add3A_19 = arith.addi %iota3A, %add3A_18 : vector<16xi32>
      %broadcast_in_dim3A = arith.constant 0 : i32
      %broadcast_in_dim3A_20 = vector.broadcast %broadcast_in_dim3A : i32 to vector<16xi32>
      %broadcast_in_dim3A_21 = arith.constant 1 : i32
      %broadcast_in_dim3A_22 = vector.broadcast %broadcast_in_dim3A_21 : i32 to vector<16xi32>
      %gather3A = tpu.vector_load_idx %arg7[%add3A_19] : memref<8192xf32, #tpu.memory_space<vmem>>[vector<16xi32>], vector<16xf32>,
      %add3A_23 = arith.constant 128 : i32
      %add3A_24 = vector.broadcast %add3A_23 : i32 to vector<16xi32>
      %add3A_25 = arith.addi %add3A_19, %add3A_24 : vector<16xi32>
      %gather3A_26 = tpu.vector_load_idx %arg7[%add3A_25] : memref<8192xf32, #tpu.memory_space<vmem>>[vector<16xi32>], vector<16xf32>,
      %gt3A = arith.cmpf ogt, %gather3A_26, %gather3A : vector<16xf32>
      %select_n3A = arith.select %gt3A, %gather3A_26, %gather3A : vector<16xi1>, vector<16xf32>
      %select_n3A_27 = arith.select %gt3A, %broadcast_in_dim3A_22, %broadcast_in_dim3A_20 : vector<16xi1>, vector<16xi32>
      %select_n3A_28 = arith.select %gt3A, %gather3A, %gather3A_26 : vector<16xi1>, vector<16xf32>
      %select_n3A_29 = arith.select %gt3A, %broadcast_in_dim3A_20, %broadcast_in_dim3A_22 : vector<16xi1>, vector<16xi32>
      %broadcast_in_dim3A_30 = arith.constant 2 : i32
      %broadcast_in_dim3A_31 = vector.broadcast %broadcast_in_dim3A_30 : i32 to vector<16xi32>
      %add3A_32 = arith.constant 256 : i32
      %add3A_33 = vector.broadcast %add3A_32 : i32 to vector<16xi32>
      %add3A_34 = arith.addi %add3A_19, %add3A_33 : vector<16xi32>
      %gather3A_35 = tpu.vector_load_idx %arg7[%add3A_34] : memref<8192xf32, #tpu.memory_space<vmem>>[vector<16xi32>], vector<16xf32>,
      %gt3A_36 = arith.cmpf ogt, %gather3A_35, %select_n3A : vector<16xf32>
      %gt3A_37 = arith.cmpf ogt, %gather3A_35, %select_n3A_28 : vector<16xf32>
      %select_n3A_38 = arith.select %gt3A_37, %gather3A_35, %select_n3A_28 : vector<16xi1>, vector<16xf32>
      %select_n3A_39 = arith.select %gt3A_36, %select_n3A, %select_n3A_38 : vector<16xi1>, vector<16xf32>
      %select_n3A_40 = arith.select %gt3A_37, %broadcast_in_dim3A_31, %select_n3A_29 : vector<16xi1>, vector<16xi32>
      %select_n3A_41 = arith.select %gt3A_36, %select_n3A_27, %select_n3A_40 : vector<16xi1>, vector<16xi32>
      %select_n3A_42 = arith.select %gt3A_36, %gather3A_35, %select_n3A : vector<16xi1>, vector<16xf32>
      %select_n3A_43 = arith.select %gt3A_36, %broadcast_in_dim3A_31, %select_n3A_27 : vector<16xi1>, vector<16xi32>
      %broadcast_in_dim3A_44 = arith.constant 3 : i32
      %broadcast_in_dim3A_45 = vector.broadcast %broadcast_in_dim3A_44 : i32 to vector<16xi32>
      %add3A_46 = arith.constant 384 : i32
      %add3A_47 = vector.broadcast %add3A_46 : i32 to vector<16xi32>
      %add3A_48 = arith.addi %add3A_19, %add3A_47 : vector<16xi32>
      %gather3A_49 = tpu.vector_load_idx %arg7[%add3A_48] : memref<8192xf32, #tpu.memory_space<vmem>>[vector<16xi32>], vector<16xf32>,
      %gt3A_50 = arith.cmpf ogt, %gather3A_49, %select_n3A_42 : vector<16xf32>
      %gt3A_51 = arith.cmpf ogt, %gather3A_49, %select_n3A_39 : vector<16xf32>
      %select_n3A_52 = arith.select %gt3A_51, %gather3A_49, %select_n3A_39 : vector<16xi1>, vector<16xf32>
      %select_n3A_53 = arith.select %gt3A_50, %select_n3A_42, %select_n3A_52 : vector<16xi1>, vector<16xf32>
      %select_n3A_54 = arith.select %gt3A_51, %broadcast_in_dim3A_45, %select_n3A_41 : vector<16xi1>, vector<16xi32>
      %select_n3A_55 = arith.select %gt3A_50, %select_n3A_43, %select_n3A_54 : vector<16xi1>, vector<16xi32>
      %select_n3A_56 = arith.select %gt3A_50, %gather3A_49, %select_n3A_42 : vector<16xi1>, vector<16xf32>
      %select_n3A_57 = arith.select %gt3A_50, %broadcast_in_dim3A_45, %select_n3A_43 : vector<16xi1>, vector<16xi32>
      %broadcast_in_dim3A_58 = arith.constant 4 : i32
      %broadcast_in_dim3A_59 = vector.broadcast %broadcast_in_dim3A_58 : i32 to vector<16xi32>
      %add3A_60 = arith.constant 512 : i32
      %add3A_61 = vector.broadcast %add3A_60 : i32 to vector<16xi32>
      %add3A_62 = arith.addi %add3A_19, %add3A_61 : vector<16xi32>
      %gather3A_63 = tpu.vector_load_idx %arg7[%add3A_62] : memref<8192xf32, #tpu.memory_space<vmem>>[vector<16xi32>], vector<16xf32>,
      %gt3A_64 = arith.cmpf ogt, %gather3A_63, %select_n3A_56 : vector<16xf32>
      %gt3A_65 = arith.cmpf ogt, %gather3A_63, %select_n3A_53 : vector<16xf32>
      %select_n3A_66 = arith.select %gt3A_65, %gather3A_63, %select_n3A_53 : vector<16xi1>, vector<16xf32>
      %select_n3A_67 = arith.select %gt3A_64, %select_n3A_56, %select_n3A_66 : vector<16xi1>, vector<16xf32>
      %select_n3A_68 = arith.select %gt3A_65, %broadcast_in_dim3A_59, %select_n3A_55 : vector<16xi1>, vector<16xi32>
      %select_n3A_69 = arith.select %gt3A_64, %select_n3A_57, %select_n3A_68 : vector<16xi1>, vector<16xi32>
      %select_n3A_70 = arith.select %gt3A_64, %gather3A_63, %select_n3A_56 : vector<16xi1>, vector<16xf32>
      %select_n3A_71 = arith.select %gt3A_64, %broadcast_in_dim3A_59, %select_n3A_57 : vector<16xi1>, vector<16xi32>
      %broadcast_in_dim3A_72 = arith.constant 5 : i32
      %broadcast_in_dim3A_73 = vector.broadcast %broadcast_in_dim3A_72 : i32 to vector<16xi32>
      %add3A_74 = arith.constant 640 : i32
      %add3A_75 = vector.broadcast %add3A_74 : i32 to vector<16xi32>
      %add3A_76 = arith.addi %add3A_19, %add3A_75 : vector<16xi32>
      %gather3A_77 = tpu.vector_load_idx %arg7[%add3A_76] : memref<8192xf32, #tpu.memory_space<vmem>>[vector<16xi32>], vector<16xf32>,
      %gt3A_78 = arith.cmpf ogt, %gather3A_77, %select_n3A_70 : vector<16xf32>
      %gt3A_79 = arith.cmpf ogt, %gather3A_77, %select_n3A_67 : vector<16xf32>
      %select_n3A_80 = arith.select %gt3A_79, %gather3A_77, %select_n3A_67 : vector<16xi1>, vector<16xf32>
      %select_n3A_81 = arith.select %gt3A_78, %select_n3A_70, %select_n3A_80 : vector<16xi1>, vector<16xf32>
      %select_n3A_82 = arith.select %gt3A_79, %broadcast_in_dim3A_73, %select_n3A_69 : vector<16xi1>, vector<16xi32>
      %select_n3A_83 = arith.select %gt3A_78, %select_n3A_71, %select_n3A_82 : vector<16xi1>, vector<16xi32>
      %select_n3A_84 = arith.select %gt3A_78, %gather3A_77, %select_n3A_70 : vector<16xi1>, vector<16xf32>
      %select_n3A_85 = arith.select %gt3A_78, %broadcast_in_dim3A_73, %select_n3A_71 : vector<16xi1>, vector<16xi32>
      %broadcast_in_dim3A_86 = arith.constant 6 : i32
      %broadcast_in_dim3A_87 = vector.broadcast %broadcast_in_dim3A_86 : i32 to vector<16xi32>
      %add3A_88 = arith.constant 768 : i32
      %add3A_89 = vector.broadcast %add3A_88 : i32 to vector<16xi32>
      %add3A_90 = arith.addi %add3A_19, %add3A_89 : vector<16xi32>
      %gather3A_91 = tpu.vector_load_idx %arg7[%add3A_90] : memref<8192xf32, #tpu.memory_space<vmem>>[vector<16xi32>], vector<16xf32>,
      %gt3A_92 = arith.cmpf ogt, %gather3A_91, %select_n3A_84 : vector<16xf32>
      %gt3A_93 = arith.cmpf ogt, %gather3A_91, %select_n3A_81 : vector<16xf32>
      %select_n3A_94 = arith.select %gt3A_93, %gather3A_91, %select_n3A_81 : vector<16xi1>, vector<16xf32>
      %select_n3A_95 = arith.select %gt3A_92, %select_n3A_84, %select_n3A_94 : vector<16xi1>, vector<16xf32>
      %select_n3A_96 = arith.select %gt3A_93, %broadcast_in_dim3A_87, %select_n3A_83 : vector<16xi1>, vector<16xi32>
      %select_n3A_97 = arith.select %gt3A_92, %select_n3A_85, %select_n3A_96 : vector<16xi1>, vector<16xi32>
      %select_n3A_98 = arith.select %gt3A_92, %gather3A_91, %select_n3A_84 : vector<16xi1>, vector<16xf32>
      %select_n3A_99 = arith.select %gt3A_92, %broadcast_in_dim3A_87, %select_n3A_85 : vector<16xi1>, vector<16xi32>
      %broadcast_in_dim3A_100 = arith.constant 7 : i32
      %broadcast_in_dim3A_101 = vector.broadcast %broadcast_in_dim3A_100 : i32 to vector<16xi32>
      %add3A_102 = arith.constant 896 : i32
      %add3A_103 = vector.broadcast %add3A_102 : i32 to vector<16xi32>
      %add3A_104 = arith.addi %add3A_19, %add3A_103 : vector<16xi32>
      %gather3A_105 = tpu.vector_load_idx %arg7[%add3A_104] : memref<8192xf32, #tpu.memory_space<vmem>>[vector<16xi32>], vector<16xf32>,
      %gt3A_106 = arith.cmpf ogt, %gather3A_105, %select_n3A_98 : vector<16xf32>
      %gt3A_107 = arith.cmpf ogt, %gather3A_105, %select_n3A_95 : vector<16xf32>
      %select_n3A_108 = arith.select %gt3A_107, %gather3A_105, %select_n3A_95 : vector<16xi1>, vector<16xf32>
      %select_n3A_109 = arith.select %gt3A_106, %select_n3A_98, %select_n3A_108 : vector<16xi1>, vector<16xf32>
      %select_n3A_110 = arith.select %gt3A_107, %broadcast_in_dim3A_101, %select_n3A_97 : vector<16xi1>, vector<16xi32>
      %select_n3A_111 = arith.select %gt3A_106, %select_n3A_99, %select_n3A_110 : vector<16xi1>, vector<16xi32>
      %select_n3A_112 = arith.select %gt3A_106, %gather3A_105, %select_n3A_98 : vector<16xi1>, vector<16xf32>
      %select_n3A_113 = arith.select %gt3A_106, %broadcast_in_dim3A_101, %select_n3A_99 : vector<16xi1>, vector<16xi32>
      %broadcast_in_dim3A_114 = arith.constant 8 : i32
      %broadcast_in_dim3A_115 = vector.broadcast %broadcast_in_dim3A_114 : i32 to vector<16xi32>
      %add3A_116 = arith.constant 1024 : i32
      %add3A_117 = vector.broadcast %add3A_116 : i32 to vector<16xi32>
      %add3A_118 = arith.addi %add3A_19, %add3A_117 : vector<16xi32>
      %gather3A_119 = tpu.vector_load_idx %arg7[%add3A_118] : memref<8192xf32, #tpu.memory_space<vmem>>[vector<16xi32>], vector<16xf32>,
      %gt3A_120 = arith.cmpf ogt, %gather3A_119, %select_n3A_112 : vector<16xf32>
      %gt3A_121 = arith.cmpf ogt, %gather3A_119, %select_n3A_109 : vector<16xf32>
      %select_n3A_122 = arith.select %gt3A_121, %gather3A_119, %select_n3A_109 : vector<16xi1>, vector<16xf32>
      %select_n3A_123 = arith.select %gt3A_120, %select_n3A_112, %select_n3A_122 : vector<16xi1>, vector<16xf32>
      %select_n3A_124 = arith.select %gt3A_121, %broadcast_in_dim3A_115, %select_n3A_111 : vector<16xi1>, vector<16xi32>
      %select_n3A_125 = arith.select %gt3A_120, %select_n3A_113, %select_n3A_124 : vector<16xi1>, vector<16xi32>
      %select_n3A_126 = arith.select %gt3A_120, %gather3A_119, %select_n3A_112 : vector<16xi1>, vector<16xf32>
      %select_n3A_127 = arith.select %gt3A_120, %broadcast_in_dim3A_115, %select_n3A_113 : vector<16xi1>, vector<16xi32>
      %broadcast_in_dim3A_128 = arith.constant 9 : i32
      %broadcast_in_dim3A_129 = vector.broadcast %broadcast_in_dim3A_128 : i32 to vector<16xi32>
      %add3A_130 = arith.constant 1152 : i32
      %add3A_131 = vector.broadcast %add3A_130 : i32 to vector<16xi32>
      %add3A_132 = arith.addi %add3A_19, %add3A_131 : vector<16xi32>
      %gather3A_133 = tpu.vector_load_idx %arg7[%add3A_132] : memref<8192xf32, #tpu.memory_space<vmem>>[vector<16xi32>], vector<16xf32>,
      %gt3A_134 = arith.cmpf ogt, %gather3A_133, %select_n3A_126 : vector<16xf32>
      %gt3A_135 = arith.cmpf ogt, %gather3A_133, %select_n3A_123 : vector<16xf32>
      %select_n3A_136 = arith.select %gt3A_135, %gather3A_133, %select_n3A_123 : vector<16xi1>, vector<16xf32>
      %select_n3A_137 = arith.select %gt3A_134, %select_n3A_126, %select_n3A_136 : vector<16xi1>, vector<16xf32>
      %select_n3A_138 = arith.select %gt3A_135, %broadcast_in_dim3A_129, %select_n3A_125 : vector<16xi1>, vector<16xi32>
      %select_n3A_139 = arith.select %gt3A_134, %select_n3A_127, %select_n3A_138 : vector<16xi1>, vector<16xi32>
      %select_n3A_140 = arith.select %gt3A_134, %gather3A_133, %select_n3A_126 : vector<16xi1>, vector<16xf32>
      %select_n3A_141 = arith.select %gt3A_134, %broadcast_in_dim3A_129, %select_n3A_127 : vector<16xi1>, vector<16xi32>
      %broadcast_in_dim3A_142 = arith.constant 10 : i32
      %broadcast_in_dim3A_143 = vector.broadcast %broadcast_in_dim3A_142 : i32 to vector<16xi32>
      %add3A_144 = arith.constant 1280 : i32
      %add3A_145 = vector.broadcast %add3A_144 : i32 to vector<16xi32>
      %add3A_146 = arith.addi %add3A_19, %add3A_145 : vector<16xi32>
      %gather3A_147 = tpu.vector_load_idx %arg7[%add3A_146] : memref<8192xf32, #tpu.memory_space<vmem>>[vector<16xi32>], vector<16xf32>,
      %gt3A_148 = arith.cmpf ogt, %gather3A_147, %select_n3A_140 : vector<16xf32>
      %gt3A_149 = arith.cmpf ogt, %gather3A_147, %select_n3A_137 : vector<16xf32>
      %select_n3A_150 = arith.select %gt3A_149, %gather3A_147, %select_n3A_137 : vector<16xi1>, vector<16xf32>
      %select_n3A_151 = arith.select %gt3A_148, %select_n3A_140, %select_n3A_150 : vector<16xi1>, vector<16xf32>
      %select_n3A_152 = arith.select %gt3A_149, %broadcast_in_dim3A_143, %select_n3A_139 : vector<16xi1>, vector<16xi32>
      %select_n3A_153 = arith.select %gt3A_148, %select_n3A_141, %select_n3A_152 : vector<16xi1>, vector<16xi32>
      %select_n3A_154 = arith.select %gt3A_148, %gather3A_147, %select_n3A_140 : vector<16xi1>, vector<16xf32>
      %select_n3A_155 = arith.select %gt3A_148, %broadcast_in_dim3A_143, %select_n3A_141 : vector<16xi1>, vector<16xi32>
      %broadcast_in_dim3A_156 = arith.constant 11 : i32
      %broadcast_in_dim3A_157 = vector.broadcast %broadcast_in_dim3A_156 : i32 to vector<16xi32>
      %add3A_158 = arith.constant 1408 : i32
      %add3A_159 = vector.broadcast %add3A_158 : i32 to vector<16xi32>
      %add3A_160 = arith.addi %add3A_19, %add3A_159 : vector<16xi32>
      %gather3A_161 = tpu.vector_load_idx %arg7[%add3A_160] : memref<8192xf32, #tpu.memory_space<vmem>>[vector<16xi32>], vector<16xf32>,
      %gt3A_162 = arith.cmpf ogt, %gather3A_161, %select_n3A_154 : vector<16xf32>
      %gt3A_163 = arith.cmpf ogt, %gather3A_161, %select_n3A_151 : vector<16xf32>
      %select_n3A_164 = arith.select %gt3A_163, %gather3A_161, %select_n3A_151 : vector<16xi1>, vector<16xf32>
      %select_n3A_165 = arith.select %gt3A_162, %select_n3A_154, %select_n3A_164 : vector<16xi1>, vector<16xf32>
      %select_n3A_166 = arith.select %gt3A_163, %broadcast_in_dim3A_157, %select_n3A_153 : vector<16xi1>, vector<16xi32>
      %select_n3A_167 = arith.select %gt3A_162, %select_n3A_155, %select_n3A_166 : vector<16xi1>, vector<16xi32>
      %select_n3A_168 = arith.select %gt3A_162, %gather3A_161, %select_n3A_154 : vector<16xi1>, vector<16xf32>
      %select_n3A_169 = arith.select %gt3A_162, %broadcast_in_dim3A_157, %select_n3A_155 : vector<16xi1>, vector<16xi32>
      %broadcast_in_dim3A_170 = arith.constant 12 : i32
      %broadcast_in_dim3A_171 = vector.broadcast %broadcast_in_dim3A_170 : i32 to vector<16xi32>
      %add3A_172 = arith.constant 1536 : i32
      %add3A_173 = vector.broadcast %add3A_172 : i32 to vector<16xi32>
      %add3A_174 = arith.addi %add3A_19, %add3A_173 : vector<16xi32>
      %gather3A_175 = tpu.vector_load_idx %arg7[%add3A_174] : memref<8192xf32, #tpu.memory_space<vmem>>[vector<16xi32>], vector<16xf32>,
      %gt3A_176 = arith.cmpf ogt, %gather3A_175, %select_n3A_168 : vector<16xf32>
      %gt3A_177 = arith.cmpf ogt, %gather3A_175, %select_n3A_165 : vector<16xf32>
      %select_n3A_178 = arith.select %gt3A_177, %gather3A_175, %select_n3A_165 : vector<16xi1>, vector<16xf32>
      %select_n3A_179 = arith.select %gt3A_176, %select_n3A_168, %select_n3A_178 : vector<16xi1>, vector<16xf32>
      %select_n3A_180 = arith.select %gt3A_177, %broadcast_in_dim3A_171, %select_n3A_167 : vector<16xi1>, vector<16xi32>
      %select_n3A_181 = arith.select %gt3A_176, %select_n3A_169, %select_n3A_180 : vector<16xi1>, vector<16xi32>
      %select_n3A_182 = arith.select %gt3A_176, %gather3A_175, %select_n3A_168 : vector<16xi1>, vector<16xf32>
      %select_n3A_183 = arith.select %gt3A_176, %broadcast_in_dim3A_171, %select_n3A_169 : vector<16xi1>, vector<16xi32>
      %broadcast_in_dim3A_184 = arith.constant 13 : i32
      %broadcast_in_dim3A_185 = vector.broadcast %broadcast_in_dim3A_184 : i32 to vector<16xi32>
      %add3A_186 = arith.constant 1664 : i32
      %add3A_187 = vector.broadcast %add3A_186 : i32 to vector<16xi32>
      %add3A_188 = arith.addi %add3A_19, %add3A_187 : vector<16xi32>
      %gather3A_189 = tpu.vector_load_idx %arg7[%add3A_188] : memref<8192xf32, #tpu.memory_space<vmem>>[vector<16xi32>], vector<16xf32>,
      %gt3A_190 = arith.cmpf ogt, %gather3A_189, %select_n3A_182 : vector<16xf32>
      %gt3A_191 = arith.cmpf ogt, %gather3A_189, %select_n3A_179 : vector<16xf32>
      %select_n3A_192 = arith.select %gt3A_191, %gather3A_189, %select_n3A_179 : vector<16xi1>, vector<16xf32>
      %select_n3A_193 = arith.select %gt3A_190, %select_n3A_182, %select_n3A_192 : vector<16xi1>, vector<16xf32>
      %select_n3A_194 = arith.select %gt3A_191, %broadcast_in_dim3A_185, %select_n3A_181 : vector<16xi1>, vector<16xi32>
      %select_n3A_195 = arith.select %gt3A_190, %select_n3A_183, %select_n3A_194 : vector<16xi1>, vector<16xi32>
      %select_n3A_196 = arith.select %gt3A_190, %gather3A_189, %select_n3A_182 : vector<16xi1>, vector<16xf32>
      %select_n3A_197 = arith.select %gt3A_190, %broadcast_in_dim3A_185, %select_n3A_183 : vector<16xi1>, vector<16xi32>
      %broadcast_in_dim3A_198 = arith.constant 14 : i32
      %broadcast_in_dim3A_199 = vector.broadcast %broadcast_in_dim3A_198 : i32 to vector<16xi32>
      %add3A_200 = arith.constant 1792 : i32
      %add3A_201 = vector.broadcast %add3A_200 : i32 to vector<16xi32>
      %add3A_202 = arith.addi %add3A_19, %add3A_201 : vector<16xi32>
      %gather3A_203 = tpu.vector_load_idx %arg7[%add3A_202] : memref<8192xf32, #tpu.memory_space<vmem>>[vector<16xi32>], vector<16xf32>,
      %gt3A_204 = arith.cmpf ogt, %gather3A_203, %select_n3A_196 : vector<16xf32>
      %gt3A_205 = arith.cmpf ogt, %gather3A_203, %select_n3A_193 : vector<16xf32>
      %select_n3A_206 = arith.select %gt3A_205, %gather3A_203, %select_n3A_193 : vector<16xi1>, vector<16xf32>
      %select_n3A_207 = arith.select %gt3A_204, %select_n3A_196, %select_n3A_206 : vector<16xi1>, vector<16xf32>
      %select_n3A_208 = arith.select %gt3A_205, %broadcast_in_dim3A_199, %select_n3A_195 : vector<16xi1>, vector<16xi32>
      %select_n3A_209 = arith.select %gt3A_204, %select_n3A_197, %select_n3A_208 : vector<16xi1>, vector<16xi32>
      %select_n3A_210 = arith.select %gt3A_204, %gather3A_203, %select_n3A_196 : vector<16xi1>, vector<16xf32>
      %select_n3A_211 = arith.select %gt3A_204, %broadcast_in_dim3A_199, %select_n3A_197 : vector<16xi1>, vector<16xi32>
      %broadcast_in_dim3A_212 = arith.constant 15 : i32
      %broadcast_in_dim3A_213 = vector.broadcast %broadcast_in_dim3A_212 : i32 to vector<16xi32>
      %add3A_214 = arith.constant 1920 : i32
      %add3A_215 = vector.broadcast %add3A_214 : i32 to vector<16xi32>
      %add3A_216 = arith.addi %add3A_19, %add3A_215 : vector<16xi32>
      %gather3A_217 = tpu.vector_load_idx %arg7[%add3A_216] : memref<8192xf32, #tpu.memory_space<vmem>>[vector<16xi32>], vector<16xf32>,
      %gt3A_218 = arith.cmpf ogt, %gather3A_217, %select_n3A_210 : vector<16xf32>
      %gt3A_219 = arith.cmpf ogt, %gather3A_217, %select_n3A_207 : vector<16xf32>
      %select_n3A_220 = arith.select %gt3A_219, %gather3A_217, %select_n3A_207 : vector<16xi1>, vector<16xf32>
      %select_n3A_221 = arith.select %gt3A_218, %select_n3A_210, %select_n3A_220 : vector<16xi1>, vector<16xf32>
      %select_n3A_222 = arith.select %gt3A_219, %broadcast_in_dim3A_213, %select_n3A_209 : vector<16xi1>, vector<16xi32>
      %select_n3A_223 = arith.select %gt3A_218, %select_n3A_211, %select_n3A_222 : vector<16xi1>, vector<16xi32>
      %select_n3A_224 = arith.select %gt3A_218, %gather3A_217, %select_n3A_210 : vector<16xi1>, vector<16xf32>
      %select_n3A_225 = arith.select %gt3A_218, %broadcast_in_dim3A_213, %select_n3A_211 : vector<16xi1>, vector<16xi32>
      %sub3A = arith.subf %select_n3A_221, %select_n3A_224 : vector<16xf32>
      %exp3A = math.exp %sub3A : vector<16xf32>
      %add3A_226 = arith.constant 1.000000e+00 : f32
      %add3A_227 = vector.broadcast %add3A_226 : f32 to vector<16xf32>
      %add3A_228 = arith.addf %add3A_227, %exp3A : vector<16xf32>
      %div3A_229 = arith.constant 1.000000e+00 : f32
      %div3A_230 = vector.broadcast %div3A_229 : f32 to vector<16xf32>
      %div3A_231 = arith.divf %div3A_230, %add3A_228 : vector<16xf32>
      %mul3A_232 = arith.constant 16 : i32
      %mul3A_233 = arith.muli %scan3A_10, %mul3A_232 : i32
      %swap3A = arith.index_cast %mul3A_233 : i32 to index
      %swap3A_234 = tpu.vector_load %arg8[%swap3A] {strides = array<i32>} : memref<512xi32, #tpu.memory_space<vmem>>, vector<16xi32>,
      tpu.vector_store %arg8[%swap3A], %select_n3A_225 {strides = array<i32>} : memref<512xi32, #tpu.memory_space<vmem>>, vector<16xi32>,
      %swap3A_235 = arith.index_cast %mul3A_233 : i32 to index
      %swap3A_236 = tpu.vector_load %arg9[%swap3A_235] {strides = array<i32>} : memref<512xi32, #tpu.memory_space<vmem>>, vector<16xi32>,
      tpu.vector_store %arg9[%swap3A_235], %select_n3A_223 {strides = array<i32>} : memref<512xi32, #tpu.memory_space<vmem>>, vector<16xi32>,
      %swap3A_237 = arith.index_cast %mul3A_233 : i32 to index
      %swap3A_238 = tpu.vector_load %arg10[%swap3A_237] {strides = array<i32>} : memref<512xf32, #tpu.memory_space<vmem>>, vector<16xf32>,
      tpu.vector_store %arg10[%swap3A_237], %div3A_231 {strides = array<i32>} : memref<512xf32, #tpu.memory_space<vmem>>, vector<16xf32>,
      %sub3A_239 = arith.constant 1.000000e+00 : f32
      %sub3A_240 = vector.broadcast %sub3A_239 : f32 to vector<16xf32>
      %sub3A_241 = arith.subf %sub3A_240, %div3A_231 : vector<16xf32>
      %swap3A_242 = arith.index_cast %mul3A_233 : i32 to index
      %swap3A_243 = tpu.vector_load %arg11[%swap3A_242] {strides = array<i32>} : memref<512xf32, #tpu.memory_space<vmem>>, vector<16xf32>,
      tpu.vector_store %arg11[%swap3A_242], %sub3A_241 {strides = array<i32>} : memref<512xf32, #tpu.memory_space<vmem>>, vector<16xf32>,
    }
    %scan3A_9 = arith.constant 32 : i32
    "tpu.region"() ({
      %run_scoped3A = tpu.sem_alloc : memref<!tpu.dma_semaphore, #tpu.memory_space<semaphore_mem>>
      %dma_start3A = tpu.memref_slice %arg3[%mul3A_2] : memref<16384xi32, #tpu.memory_space<hbm>> -> memref<512xi32, #tpu.memory_space<hbm>>
      %dma_start3A_10 = tpu.memref_slice %arg3[%mul3A_2] : memref<16384xi32, #tpu.memory_space<hbm>> -> memref<512xi32, #tpu.memory_space<hbm>>
      tpu.enqueue_dma source(%arg8 : memref<512xi32, #tpu.memory_space<vmem>>) target(%dma_start3A_10 : memref<512xi32, #tpu.memory_space<hbm>>) target_semaphore(%run_scoped3A : memref<!tpu.dma_semaphore, #tpu.memory_space<semaphore_mem>>)
      %dma_wait3A = tpu.memref_slice %arg3[%mul3A_2] : memref<16384xi32, #tpu.memory_space<hbm>> -> memref<512xi32, #tpu.memory_space<hbm>>
      %dma_wait3A_11 = tpu.memref_slice %arg3[%mul3A_2] : memref<16384xi32, #tpu.memory_space<hbm>> -> memref<512xi32, #tpu.memory_space<hbm>>
      tpu.wait_dma2 semaphore(%run_scoped3A : memref<!tpu.dma_semaphore, #tpu.memory_space<semaphore_mem>>) src(%arg8 : memref<512xi32, #tpu.memory_space<vmem>>) dst(%dma_wait3A_11 : memref<512xi32, #tpu.memory_space<hbm>>)
      tpu.yield
    }) : () -> ()
    "tpu.region"() ({
      %run_scoped3A = tpu.sem_alloc : memref<!tpu.dma_semaphore, #tpu.memory_space<semaphore_mem>>
      %dma_start3A = tpu.memref_slice %arg4[%mul3A_2] : memref<16384xi32, #tpu.memory_space<hbm>> -> memref<512xi32, #tpu.memory_space<hbm>>
      %dma_start3A_10 = tpu.memref_slice %arg4[%mul3A_2] : memref<16384xi32, #tpu.memory_space<hbm>> -> memref<512xi32, #tpu.memory_space<hbm>>
      tpu.enqueue_dma source(%arg9 : memref<512xi32, #tpu.memory_space<vmem>>) target(%dma_start3A_10 : memref<512xi32, #tpu.memory_space<hbm>>) target_semaphore(%run_scoped3A : memref<!tpu.dma_semaphore, #tpu.memory_space<semaphore_mem>>)
      %dma_wait3A = tpu.memref_slice %arg4[%mul3A_2] : memref<16384xi32, #tpu.memory_space<hbm>> -> memref<512xi32, #tpu.memory_space<hbm>>
      %dma_wait3A_11 = tpu.memref_slice %arg4[%mul3A_2] : memref<16384xi32, #tpu.memory_space<hbm>> -> memref<512xi32, #tpu.memory_space<hbm>>
      tpu.wait_dma2 semaphore(%run_scoped3A : memref<!tpu.dma_semaphore, #tpu.memory_space<semaphore_mem>>) src(%arg9 : memref<512xi32, #tpu.memory_space<vmem>>) dst(%dma_wait3A_11 : memref<512xi32, #tpu.memory_space<hbm>>)
      tpu.yield
    }) : () -> ()
    "tpu.region"() ({
      %run_scoped3A = tpu.sem_alloc : memref<!tpu.dma_semaphore, #tpu.memory_space<semaphore_mem>>
      %dma_start3A = tpu.memref_slice %arg5[%mul3A_2] : memref<16384xf32, #tpu.memory_space<hbm>> -> memref<512xf32, #tpu.memory_space<hbm>>
      %dma_start3A_10 = tpu.memref_slice %arg5[%mul3A_2] : memref<16384xf32, #tpu.memory_space<hbm>> -> memref<512xf32, #tpu.memory_space<hbm>>
      tpu.enqueue_dma source(%arg10 : memref<512xf32, #tpu.memory_space<vmem>>) target(%dma_start3A_10 : memref<512xf32, #tpu.memory_space<hbm>>) target_semaphore(%run_scoped3A : memref<!tpu.dma_semaphore, #tpu.memory_space<semaphore_mem>>)
      %dma_wait3A = tpu.memref_slice %arg5[%mul3A_2] : memref<16384xf32, #tpu.memory_space<hbm>> -> memref<512xf32, #tpu.memory_space<hbm>>
      %dma_wait3A_11 = tpu.memref_slice %arg5[%mul3A_2] : memref<16384xf32, #tpu.memory_space<hbm>> -> memref<512xf32, #tpu.memory_space<hbm>>
      tpu.wait_dma2 semaphore(%run_scoped3A : memref<!tpu.dma_semaphore, #tpu.memory_space<semaphore_mem>>) src(%arg10 : memref<512xf32, #tpu.memory_space<vmem>>) dst(%dma_wait3A_11 : memref<512xf32, #tpu.memory_space<hbm>>)
      tpu.yield
    }) : () -> ()
    "tpu.region"() ({
      %run_scoped3A = tpu.sem_alloc : memref<!tpu.dma_semaphore, #tpu.memory_space<semaphore_mem>>
      %dma_start3A = tpu.memref_slice %arg6[%mul3A_2] : memref<16384xf32, #tpu.memory_space<hbm>> -> memref<512xf32, #tpu.memory_space<hbm>>
      %dma_start3A_10 = tpu.memref_slice %arg6[%mul3A_2] : memref<16384xf32, #tpu.memory_space<hbm>> -> memref<512xf32, #tpu.memory_space<hbm>>
      tpu.enqueue_dma source(%arg11 : memref<512xf32, #tpu.memory_space<vmem>>) target(%dma_start3A_10 : memref<512xf32, #tpu.memory_space<hbm>>) target_semaphore(%run_scoped3A : memref<!tpu.dma_semaphore, #tpu.memory_space<semaphore_mem>>)
      %dma_wait3A = tpu.memref_slice %arg6[%mul3A_2] : memref<16384xf32, #tpu.memory_space<hbm>> -> memref<512xf32, #tpu.memory_space<hbm>>
      %dma_wait3A_11 = tpu.memref_slice %arg6[%mul3A_2] : memref<16384xf32, #tpu.memory_space<hbm>> -> memref<512xf32, #tpu.memory_space<hbm>>
      tpu.wait_dma2 semaphore(%run_scoped3A : memref<!tpu.dma_semaphore, #tpu.memory_space<semaphore_mem>>) src(%arg11 : memref<512xf32, #tpu.memory_space<vmem>>) dst(%dma_wait3A_11 : memref<512xf32, #tpu.memory_space<hbm>>)
      tpu.yield
    }) : () -> ()
    return
  }
}

module attributes {stable_mosaic.version = 14 : i64} {
  func.func @_logits_body(%arg0: i32, %arg1: memref<1024x2048xf32, #tpu.memory_space<vmem>>, %arg2: memref<16x2048xf32, #tpu.memory_space<vmem>>, %arg3: memref<1x16xf32, #tpu.memory_space<vmem>>, %arg4: memref<128x128xf32, #tpu.memory_space<vmem>>) attributes {dimension_semantics = [#tpu.dimension_semantics<arbitrary>], iteration_bounds = array<i64: 16>, scalar_prefetch = 0 : i64, scratch_operands = 0 : i64, tpu.core_type = #tpu.core_type<tc>, window_params = [{transform_indices = @transform_0, window_bounds = array<i64: 1024, 2048>}, {pipeline_mode = #tpu.pipeline_mode<synchronous>, transform_indices = @transform_1, window_bounds = array<i64: 16, 2048>}, {pipeline_mode = #tpu.pipeline_mode<synchronous>, transform_indices = @transform_2, window_bounds = array<i64: 1, 16>}, {transform_indices = @transform_3, window_bounds = array<i64: 128, 128>}]} {
    %get3A = arith.constant 0 : index
    %get3A_0 = arith.constant 0 : index
    %get3A_1 = vector.load %arg1[%get3A, %get3A_0] : memref<1024x2048xf32, #tpu.memory_space<vmem>>, vector<1024x2048xf32>
    %get3A_2 = arith.constant 0 : index
    %get3A_3 = arith.constant 0 : index
    %get3A_4 = vector.load %arg2[%get3A_2, %get3A_3] : memref<16x2048xf32, #tpu.memory_space<vmem>>, vector<16x2048xf32>
    %dot_general3A = arith.constant dense<0.000000e+00> : vector<1024x16xf32>
    %dot_general3A_5 = tpu.matmul %get3A_1, %get3A_4, %dot_general3A {dimension_numbers = #tpu.dot_dimension_numbers<[1], [1], [0], [0], [0, 0, 1, 0], [], []>, transpose_lhs_hint = false} : vector<1024x2048xf32>, vector<16x2048xf32>, vector<1024x16xf32> -> vector<1024x16xf32>
    %get3A_6 = arith.constant 0 : index
    %get3A_7 = arith.constant 0 : index
    %get3A_8 = vector.load %arg3[%get3A_6, %get3A_7] : memref<1x16xf32, #tpu.memory_space<vmem>>, vector<1x16xf32>
    %add3A = vector.broadcast %get3A_8 : vector<1x16xf32> to vector<1024x16xf32>
    %add3A_9 = arith.addf %dot_general3A_5, %add3A : vector<1024x16xf32>
    %slice3A = vector.extract_strided_slice %add3A_9 {offsets = [0, 0], sizes = [128, 16], strides = [1, 1]} : vector<1024x16xf32> to vector<128x16xf32>
    %transpose3A = tpu.transpose %slice3A, [1, 0] : vector<128x16xf32> -> vector<16x128xf32>
    %swap3A = arith.constant 0 : index
    %swap3A_10 = arith.constant 0 : index
    %swap3A_11 = vector.load %arg4[%swap3A, %swap3A_10] : memref<128x128xf32, #tpu.memory_space<vmem>>, vector<16x128xf32>
    tpu.vector_store %arg4[%swap3A, %swap3A_10], %transpose3A {strides = array<i32>} : memref<128x128xf32, #tpu.memory_space<vmem>>, vector<16x128xf32>,
    %slice3A_12 = vector.extract_strided_slice %add3A_9 {offsets = [128, 0], sizes = [128, 16], strides = [1, 1]} : vector<1024x16xf32> to vector<128x16xf32>
    %transpose3A_13 = tpu.transpose %slice3A_12, [1, 0] : vector<128x16xf32> -> vector<16x128xf32>
    %swap3A_14 = arith.constant 16 : index
    %swap3A_15 = arith.constant 0 : index
    %swap3A_16 = vector.load %arg4[%swap3A_14, %swap3A_15] : memref<128x128xf32, #tpu.memory_space<vmem>>, vector<16x128xf32>
    tpu.vector_store %arg4[%swap3A_14, %swap3A_15], %transpose3A_13 {strides = array<i32>} : memref<128x128xf32, #tpu.memory_space<vmem>>, vector<16x128xf32>,
    %slice3A_17 = vector.extract_strided_slice %add3A_9 {offsets = [256, 0], sizes = [128, 16], strides = [1, 1]} : vector<1024x16xf32> to vector<128x16xf32>
    %transpose3A_18 = tpu.transpose %slice3A_17, [1, 0] : vector<128x16xf32> -> vector<16x128xf32>
    %swap3A_19 = arith.constant 32 : index
    %swap3A_20 = arith.constant 0 : index
    %swap3A_21 = vector.load %arg4[%swap3A_19, %swap3A_20] : memref<128x128xf32, #tpu.memory_space<vmem>>, vector<16x128xf32>
    tpu.vector_store %arg4[%swap3A_19, %swap3A_20], %transpose3A_18 {strides = array<i32>} : memref<128x128xf32, #tpu.memory_space<vmem>>, vector<16x128xf32>,
    %slice3A_22 = vector.extract_strided_slice %add3A_9 {offsets = [384, 0], sizes = [128, 16], strides = [1, 1]} : vector<1024x16xf32> to vector<128x16xf32>
    %transpose3A_23 = tpu.transpose %slice3A_22, [1, 0] : vector<128x16xf32> -> vector<16x128xf32>
    %swap3A_24 = arith.constant 48 : index
    %swap3A_25 = arith.constant 0 : index
    %swap3A_26 = vector.load %arg4[%swap3A_24, %swap3A_25] : memref<128x128xf32, #tpu.memory_space<vmem>>, vector<16x128xf32>
    tpu.vector_store %arg4[%swap3A_24, %swap3A_25], %transpose3A_23 {strides = array<i32>} : memref<128x128xf32, #tpu.memory_space<vmem>>, vector<16x128xf32>,
    %slice3A_27 = vector.extract_strided_slice %add3A_9 {offsets = [512, 0], sizes = [128, 16], strides = [1, 1]} : vector<1024x16xf32> to vector<128x16xf32>
    %transpose3A_28 = tpu.transpose %slice3A_27, [1, 0] : vector<128x16xf32> -> vector<16x128xf32>
    %swap3A_29 = arith.constant 64 : index
    %swap3A_30 = arith.constant 0 : index
    %swap3A_31 = vector.load %arg4[%swap3A_29, %swap3A_30] : memref<128x128xf32, #tpu.memory_space<vmem>>, vector<16x128xf32>
    tpu.vector_store %arg4[%swap3A_29, %swap3A_30], %transpose3A_28 {strides = array<i32>} : memref<128x128xf32, #tpu.memory_space<vmem>>, vector<16x128xf32>,
    %slice3A_32 = vector.extract_strided_slice %add3A_9 {offsets = [640, 0], sizes = [128, 16], strides = [1, 1]} : vector<1024x16xf32> to vector<128x16xf32>
    %transpose3A_33 = tpu.transpose %slice3A_32, [1, 0] : vector<128x16xf32> -> vector<16x128xf32>
    %swap3A_34 = arith.constant 80 : index
    %swap3A_35 = arith.constant 0 : index
    %swap3A_36 = vector.load %arg4[%swap3A_34, %swap3A_35] : memref<128x128xf32, #tpu.memory_space<vmem>>, vector<16x128xf32>
    tpu.vector_store %arg4[%swap3A_34, %swap3A_35], %transpose3A_33 {strides = array<i32>} : memref<128x128xf32, #tpu.memory_space<vmem>>, vector<16x128xf32>,
    %slice3A_37 = vector.extract_strided_slice %add3A_9 {offsets = [768, 0], sizes = [128, 16], strides = [1, 1]} : vector<1024x16xf32> to vector<128x16xf32>
    %transpose3A_38 = tpu.transpose %slice3A_37, [1, 0] : vector<128x16xf32> -> vector<16x128xf32>
    %swap3A_39 = arith.constant 96 : index
    %swap3A_40 = arith.constant 0 : index
    %swap3A_41 = vector.load %arg4[%swap3A_39, %swap3A_40] : memref<128x128xf32, #tpu.memory_space<vmem>>, vector<16x128xf32>
    tpu.vector_store %arg4[%swap3A_39, %swap3A_40], %transpose3A_38 {strides = array<i32>} : memref<128x128xf32, #tpu.memory_space<vmem>>, vector<16x128xf32>,
    %slice3A_42 = vector.extract_strided_slice %add3A_9 {offsets = [896, 0], sizes = [128, 16], strides = [1, 1]} : vector<1024x16xf32> to vector<128x16xf32>
    %transpose3A_43 = tpu.transpose %slice3A_42, [1, 0] : vector<128x16xf32> -> vector<16x128xf32>
    %swap3A_44 = arith.constant 112 : index
    %swap3A_45 = arith.constant 0 : index
    %swap3A_46 = vector.load %arg4[%swap3A_44, %swap3A_45] : memref<128x128xf32, #tpu.memory_space<vmem>>, vector<16x128xf32>
    tpu.vector_store %arg4[%swap3A_44, %swap3A_45], %transpose3A_43 {strides = array<i32>} : memref<128x128xf32, #tpu.memory_space<vmem>>, vector<16x128xf32>,
    return
  }
  func.func @transform_0(%arg0: i32) -> (i32, i32) {
    %c0_i32 = arith.constant 0 : i32
    %c0_i32_0 = arith.constant 0 : i32
    return %arg0, %c0_i32 : i32, i32
  }
  func.func @transform_1(%arg0: i32) -> (i32, i32) {
    %c0_i32 = arith.constant 0 : i32
    %c0_i32_0 = arith.constant 0 : i32
    %c0_i32_1 = arith.constant 0 : i32
    return %c0_i32, %c0_i32_0 : i32, i32
  }
  func.func @transform_2(%arg0: i32) -> (i32, i32) {
    %c0_i32 = arith.constant 0 : i32
    %c0_i32_0 = arith.constant 0 : i32
    %c0_i32_1 = arith.constant 0 : i32
    return %c0_i32, %c0_i32_0 : i32, i32
  }
  func.func @transform_3(%arg0: i32) -> (i32, i32) {
    %c0_i32 = arith.constant 0 : i32
    %c0_i32_0 = arith.constant 0 : i32
    return %arg0, %c0_i32 : i32, i32
  }
}

</mosaic_0001>

<sc_bundles>
// kernel: kernel.4.cloned.1.call-start
scs
__scs_entry_jumppad:
0x0: {  	(pc) =	sbr.rel $0x88, $3  }
0x1: {  	(tag) =	ssettag $0x0;
	lr =	simm.s32 $0x1  }
0x2: {  	[smem:$0x3F9E] =	sst lr;
	_ =	strace $0xD0000000  }
0x3: {  	_ = 	snop  }
0x4: {  	_ = 	snop  }
0x5: {  	_ = 	snop  }
0x6: {  	_ = 	snop  }
0x7: {  	_ = 	snop  }
__scs_overlays_trampoline_lowered:
0x8: {  	[smem:$0x3FAD] =	sst s0  }
0x9: {  	[smem:$0x3FAE] =	sst s1  }
0xa: {  	[smem:$0x3FAF] =	sst s2  }
0xb: {  	[smem:$0x3FB0] =	sst s3  }
0xc: {  	[smem:$0x3FB1] =	sst s4  }
0xd: {  	[smem:$0x3FB2] =	sst s5  }
0xe: {  	[smem:$0x3FB3] =	sst s6  }
0xf: {  	[smem:$0x3FB4] =	sst s7  }
0x10: {  	[smem:$0x3FB5] =	sst s8  }
0x11: {  	[smem:$0x3FB6] =	sst s9;
	s0 =	simm.s32 @!p0 $0x0  }
0x12: {  	s1 =	sld [smem:$0x3F9C];
	s0 =	simm.s32 @p0 $0x1  }
0x13: {  	[smem:$0x3FB7] =	sst s0;
	s0 =	simm.s32 @!p1 $0x0  }
0x14: {  	s2 =	sld [smem:$0x3F9B];
	s0 =	simm.s32 @p1 $0x1  }
0x15: {  	[smem:$0x3FB8] =	sst s0;
	s0 =	simm.s32 @!p2 $0x0  }
0x16: {  	s3 =	sld [smem:$0x3FDB];
	s0 =	simm.s32 @p2 $0x1  }
0x17: {  	s4 =	simm.s32 $0x1BF5;
	[smem:$0x3FBA] =	sst s0  }
0x18: {  	s0 =	sld [smem:$0x3F9D];
	_ =	swait.ge [sflag:s4], $0x0  }
0x19: {  	s7 =	sld [smem:$0x3F9E]  }
0x1a: {  	s8 =	sadd.s32 $0xFFFFE003, lr  }
0x1b: {  	s9 =	sadd.s32 $0xFFFFFEF7, lr;
	s5 =	simm.s32 $0xFFFFFFFF;
	p2 =	slt.u32 s8, $0xFFFFF086  }
0x1c: {  	p1 =	slt.u32 s9, $0xF7A;
	s5 =	simm.s32 @!p2 $0x0  }
0x1d: {  	s5 =	simm.s32 @p1 $0x1;
	p0 =	seq.s32 s7, s2  }
0x1e: {  	s7 =	smul.u32 @!p0 $0xF7A, s2;
	p2 =	seq.s32 @!p0 s5, $0x0  }
0x1f: {  	s9 =	smul.u32 $0xF7A, s1;
	s8 =	simm.s32 @!p0 $0x1BF5;
	p2 =	por !p2, p0  }
0x20: {  	[sflag:s8] =	ssyncset.s32 @!p0 $0xFFFFF086;
	s6 =	sadd.s32 @!p0 s3, s7;
	s7 =	simm.s32 @!p0 $0x108  }
0x21: {  	s3 =	sadd.s32 s3, s9;
	s6 =	sadd.s32 @!p0 $0x88, s6;
	s7 =	simm.s32 @p2 $0x1082  }
0x22: {  	[simem:s7], [sflag:s8] =	dma.local @!p0 [hbm:s6], $0xF7A  }
0x23: {  	s9 =	sor.u32 $0xD0000000, s2;
	s6 =	simm.s32 $0x108;
	_ =	swait.ge @!p0 [sflag:s8], $0x0  }
0x24: {  	s3 =	sadd.s32 $0x88, s3;
	s6 =	simm.s32 @!p1 $0x1082;
	[sflag:s4] =	ssyncset.s32 $0xFFFFF086  }
0x25: {  	[simem:s6], [sflag:s4] =	dma.local [hbm:s3], $0xF7A  }
0x26: {  	[smem:$0x3F9E] =	sst s1;
	(tag) =	ssettag s2;
	_ =	strace s9  }
0x27: {  	s1 =	sld [smem:$0x3FAE]  }
0x28: {  	s2 =	sld [smem:$0x3FAF]  }
0x29: {  	s4 =	sld [smem:$0x3FB1]  }
0x2a: {  	p0 =	seq.s32 s5, $0x0;
	s5 =	sld [smem:$0x3FB2]  }
0x2b: {  	s6 =	sld [smem:$0x3FB3]  }
0x2c: {  	s7 =	sld [smem:$0x3FB4]  }
0x2d: {  	s3 =	simm.s32 $0x108;
	s8 =	sld [smem:$0x3FB5]  }
0x2e: {  	s3 =	simm.s32 @!p0 $0x1082;
	s9 =	sld [smem:$0x3FB6]  }
0x2f: {  	lr =	sadd.s32 s0, s3;
	s0 =	sld [smem:$0x3FAD]  }
0x30: {  	s3 =	sld [smem:$0x3FB0]  }
0x31: {  	[smem:$0x3FB9] =	sst s10  }
0x32: {  	s10 =	sld [smem:$0x3FB7];
	_ =	sdelay $0x3  }
0x33: {  	p0 =	seq.s32 s10, $0x1;
	s10 =	sld [smem:$0x3FB9];
	_ =	sdelay $0x3  }
0x34: {  	[smem:$0x3FB9] =	sst s10  }
0x35: {  	s10 =	sld [smem:$0x3FB8];
	_ =	sdelay $0x3  }
0x36: {  	p1 =	seq.s32 s10, $0x1;
	s10 =	sld [smem:$0x3FB9];
	_ =	sdelay $0x3  }
0x37: {  	[smem:$0x3FB9] =	sst s10  }
0x38: {  	s10 =	sld [smem:$0x3FBA]  }
0x39: {  	_ = 	snop;
	(pc) =	sbr.ind lr, $3  }
0x3a: {  	_ = 	snop  }
0x3b: {  	_ = 	snop  }
0x3c: {  	p2 =	seq.s32 s10, $0x1;
	s10 =	sld [smem:$0x3FB9]  }
0x3d: {  	_ =	shalt  }
0x3e: {  	_ =	shalt  }
0x3f: {  	_ =	shalt  }
0x40: {  	_ =	shalt  }
0x41: {  	_ =	shalt  }
0x42: {  	_ =	shalt  }
0x43: {  	_ =	shalt  }
0x44: {  	_ =	shalt  }
0x45: {  	_ =	shalt  }
0x46: {  	_ =	shalt  }
0x47: {  	_ =	shalt  }
0x48: {  	_ =	shalt  }
0x49: {  	_ =	shalt  }
0x4a: {  	_ =	shalt  }
0x4b: {  	_ =	shalt  }
0x4c: {  	_ =	shalt  }
0x4d: {  	_ =	shalt  }
0x4e: {  	_ =	shalt  }
0x4f: {  	_ =	shalt  }
0x50: {  	_ =	shalt  }
0x51: {  	_ =	shalt  }
0x52: {  	_ =	shalt  }
0x53: {  	_ =	shalt  }
0x54: {  	_ =	shalt  }
0x55: {  	_ =	shalt  }
0x56: {  	_ =	shalt  }
0x57: {  	_ =	shalt  }
0x58: {  	_ =	shalt  }
0x59: {  	_ =	shalt  }
0x5a: {  	_ =	shalt  }
0x5b: {  	_ =	shalt  }
0x5c: {  	_ =	shalt  }
0x5d: {  	_ =	shalt  }
0x5e: {  	_ =	shalt  }
0x5f: {  	_ =	shalt  }
0x60: {  	_ =	shalt  }
0x61: {  	_ =	shalt  }
0x62: {  	_ =	shalt  }
0x63: {  	_ =	shalt  }
0x64: {  	_ =	shalt  }
0x65: {  	_ =	shalt  }
0x66: {  	_ =	shalt  }
0x67: {  	_ =	shalt  }
0x68: {  	_ =	shalt  }
0x69: {  	_ =	shalt  }
0x6a: {  	_ =	shalt  }
0x6b: {  	_ =	shalt  }
0x6c: {  	_ =	shalt  }
0x6d: {  	_ =	shalt  }
0x6e: {  	_ =	shalt  }
0x6f: {  	_ =	shalt  }
0x70: {  	_ =	shalt  }
0x71: {  	_ =	shalt  }
0x72: {  	_ =	shalt  }
0x73: {  	_ =	shalt  }
0x74: {  	_ =	shalt  }
0x75: {  	_ =	shalt  }
0x76: {  	_ =	shalt  }
0x77: {  	_ =	shalt  }
0x78: {  	_ =	shalt  }
0x79: {  	_ =	shalt  }
0x7a: {  	_ =	shalt  }
0x7b: {  	_ =	shalt  }
0x7c: {  	_ =	shalt  }
0x7d: {  	_ =	shalt  }
0x7e: {  	_ =	shalt  }
0x7f: {  	_ =	shalt  }
0x80: {  	_ =	shalt  }
0x81: {  	_ =	shalt  }
0x82: {  	_ =	shalt  }
0x83: {  	_ =	shalt  }
0x84: {  	_ =	shalt  }
0x85: {  	_ =	shalt  }
0x86: {  	_ =	shalt  }
0x87: {  	_ =	shalt  }
.Lfunc_end0:
.L_simem_size_0:
called_computation_lowered:
.L_overlay_start_0:
0x88: {  	s2 =	sld [smem:$0x3FD9]  }
0x89: {  	s3 =	sld [smem:$0x3FFE];
	_ =	sdelay $0x1  }
0x8a: {  	s1 =	srdreg.scid  }
0x8b: {  	s0 =	sand.u32 $0x1, s1  }
0x8c: {  	s14 =	sshll.u32 s0, $0xA;
	s2 =	sadd.s32 s3, s2  }
0x8d: {  	s2 =	sadd.s32 s2, s14  }
0x8e: {  	[smem:$0x3FC5] =	sst s2  }
0x8f: {  	_ = 	snop  }
0x90: {  	s2 =	sld [smem:$0x3FD0];
	_ =	sdelay $0x2  }
0x91: {  	s15 =	simm.s32 $0xA;
	s4 =	simm.s32 $0x10  }
0x92: {  	[smem:s4], [sflag:s15] =	dma.local [hbm:s2], $0x1  }
0x93: {  	_ =	swait.eq [sflag:s15], $0x1  }
0x94: {  	[sflag:s15] =	ssyncset.done $0x0  }
0x95: {  	[sflag:s15] =	ssyncadd.s32 $0xFFFFFFFF  }
0x96: {  	s16 =	sld [smem:$0x11];
	(tm) =	ssettm $0x1  }
0x97: {  	s17 =	sld [smem:$0x3FFB];
	_ =	sdelay $0x3  }
0x98: {  	_ =	strace s17  }
0x99: {  	s3 =	sld [smem:$0x3FFC];
	_ =	sdelay $0x3  }
0x9a: {  	_ =	strace s3  }
0x9b: {  	s3 =	sld [smem:$0x3FFD];
	_ =	sdelay $0x3  }
0x9c: {  	_ =	strace s3  }
0x9d: {  	_ =	strace $0x8FFFFFFF  }
0x9e: {  	s18 =	sld [smem:$0x3FDB];
	_ =	sdelay $0x1  }
0x9f: {  	s19 =	simm.s32 $_scs_section_size  }
0xa0: {  	s5 =	simm.s32 $_size__tile_overlayer_lowered;
	s6 =	simm.s32 $_tile_overlayer_lowered  }
0xa1: {  	s22 =	simm.s32 $0x1BFF;
	s21 =	sshll.u32 s6, $0x1;
	s3 =	sadd.s32 s19, s18  }
0xa2: {  	s7 =	simm.s32 $0x0;
	s20 =	sshll.u32 s5, $0x1;
	s5 =	sadd.s32 s21, s3  }
0xa3: {  	[timem:s7], [sflag:s22] =	dma.local [hbm:s5], s20  }
0xa4: {  	_ =	swait.ge [sflag:s22], s20  }
0xa5: {  	s4 =	ssub.s32 $0x0, s20;
	[sflag:s22] =	ssyncset.done $0x0  }
0xa6: {  	[sflag:s22] =	ssyncadd.s32 s4;
	_ =	sdelay $0x1  }
0xa7: {  	s23 =	simm.s32 $0x1B8B  }
0xa8: {  	_ =	swait.ge [sflag:s23], $0x1  }
0xa9: {  	[sflag:s23] =	ssyncset.done $0x0  }
0xaa: {  	s25 =	simm.s32 $0x1B8E;
	s24 =	sld [smem:$0x3FFE];
	[sflag:s23] =	ssyncadd.s32 $0xFFFFFFFF  }
0xab: {  	s26 =	simm.s32 $execute0_lowered;
	[smem:$0x3FD2] =	sst s25  }
0xac: {  	s5 =	sshll.u32 s26, $0x1;
	_ =	strace $0x80000046;
	[dreg:$0x1] =	wrdreg $0xFFFFFFFF  }
0xad: {  	s28 =	simm.s32 $_size_execute0_lowered;
	s3 =	sadd.s32 s3, s5;
	[dreg:$0x0] =	wrdreg $0x0  }
0xae: {  	s5 =	sshll.u32 s28, $0x1;
	[dreg:$0x2] =	wrdreg s3  }
0xaf: {  	[dreg:$0x3] =	wrdreg s5  }
0xb0: {  	[dreg:$0x4] =	wrdreg $0xC0  }
0xb1: {  	_ =	task [dreg:s7], $0x5FFFF  }
0xb2: {  	[dreg:$0x1] =	wrdreg $0xFFFFFFFF  }
0xb3: {  	[dreg:$0x0] =	wrdreg $0x60  }
0xb4: {  	[dreg:$0x2] =	wrdreg s24  }
0xb5: {  	[dreg:$0x3] =	wrdreg s16  }
0xb6: {  	[dreg:$0x4] =	wrdreg $0x9  }
0xb7: {  	_ =	task.clear_ibuf [dreg:s7], $0x5FFFF;
	_ =	strace $0x90000046  }
0xb8: {  	s29 =	simm.s32 $0x9;
	_ =	strace $0x80000048  }
0xb9: {  	_ =	swait.ge [sflag:s29], $0x1  }
0xba: {  	[sflag:s29] =	ssyncadd.s32 $0xFFFFFFFF  }
0xbb: {  	_ =	strace $0x90000048  }
0xbc: {  	_ =	sfence  }
0xbd: {  	s30 =	sld [smem:$0x0];
	_ =	sdelay $0x2  }
0xbe: {  	s31 =	sshll.u32 s1, $0xD;
	s1 =	sshrl.u32 s1, $0x2  }
0xbf: {  	s3 =	sand.u32 $0x4000, s31;
	s1 =	sadd.s32 s1, s30  }
0xc0: {  	s0 =	sor.u32 s3, s0;
	s1 =	sshll.u32 s1, $0x11  }
0xc1: {  	s0 =	sor.u32 s1, s0  }
0xc2: {  	s0 =	sadd.s32 $0x8F2B, s0  }
0xc3: {  	[sflag:s0] =	ssyncadd.remote.s32 $0x1  }
0xc4: {  	_ =	sfence.sel $0xFFFF  }
0xc5: {  	[dreg:$0x0] =	wrdreg $0xFFFFFFFF;
	(pc) =	sbr.abs _section_cstart, $3  }
0xc6: {  	[dreg:$0x1] =	wrdreg $0xFFFFFFFF  }
0xc7: {  	_ =	task.clear_ibuf [dreg:s7], $0x2FFFF;
	_ =	strace $0x9FFFFFFF  }
0xc8: {  	(tm) =	ssettm $0x7FFFFFFF  }
0xc9: {  	_ =	shalt  }
tec
execute0_lowered:
.L_overlay_start_1:
0x0: {  	(tag) =	ssettag $0x1  }
0x1: {  	s3 =	rddreg [dreg:$0x0]  }
0x2: {  	s4 =	rddreg [dreg:$0x1]  }
0x3: {  	s0 =	rddreg [dreg:$0x2]  }
0x4: {  	s2 =	simm.s32 $0x0;
	s5 =	srdreg.scid;
	s1 =	stileid.u32  }
0x5: {  	s10 =	simm.s32 $0x2000;
	s11 =	simm.s32 $0x2200;
	s12 =	simm.s32 $0x2400  }
0x6: {  	s13 =	simm.s32 $0x2600;
	s5 =	sand.u32 $0x1, s5;
	s6 =	sshll.u32 s1, $0x1  }
0x7: {  	v0 =	vlaneseq.u32;
	v2 =	vimm.s32 $0x0;
	s14 =	simm.s32 $0x0;
	[smem:$0x7FF] =	sst s2;
	s6 =	sor.u32 s5, s6  }
0x8: {  	v1 =	vor.u32 $0x80, v0;
	v3 =	vor.u32 $0x100, v0;
	v4 =	vor.u32 $0x180, v0;
	_ =	strace $0x80000047;
	s5 =	ssub.s32 $0x2, s5;
	s7 =	sshll.u32 s6, $0xA  }
0x9: {  	v5 =	vor.u32 $0x200, v0;
	v6 =	vor.u32 $0x280, v0;
	v7 =	vor.u32 $0x300, v0;
	s6 =	sshll.u32 s6, $0x6;
	s8 =	sshrl.u32 s5, $0x1;
	s7 =	sadd.s32 s7, s3  }
0xa: {  	v8 =	vor.u32 $0x380, v0;
	v9 =	vor.u32 $0x400, v0;
	v10 =	vor.u32 $0x480, v0;
	s9 =	sadd.s32 s6, s3;
	s8 =	ssub.s32 s5, s8;
	s4 =	sadd.s32 s4, s6  }
0xb: {  	v11 =	vor.u32 $0x500, v0;
	v12 =	vor.u32 $0x580, v0;
	v13 =	vor.u32 $0x600, v0;
	s3 =	sadd.s32 $0xE00, s7;
	s5 =	sadd.s32 $0x8E00, s9;
	s6 =	sadd.s32 $0x9600, s9  }
0xc: {  	v14 =	vor.u32 $0x680, v0;
	v15 =	vor.u32 $0x700, v0;
	v16 =	vor.u32 $0x780, v0;
	s7 =	sadd.s32 $0x9E00, s9;
	s8 =	smax.u32 s8, $0x1;
	s9 =	simm.s32 $0x1  }
.LBB2_1:
0xd: {  	s15 =	sand.u32 $0x1800, s2;
	s16 =	sand.u32 $0x70, s2  }
0xe: {  	s15 =	sor.u32 s16, s15  }
0xf: {  	v17 =	vor.u32 s15, v1  }
0x10: {  	[tilespmem:s2], [sflag:$0x1] =	stream.linear.gather [hbm4b:s3+s2], $0x2000, $0x38;
	v18 =	vor.u32 s15, v0;
	[tilespmem:$0x2800] =	vst v63  }
0x11: {  	_ =	swait.ge [sflag:s9], $0x2000  }
0x12: {  	[sflag:s9] =	ssyncset.done $0x0;
	v19 =	vor.u32 s15, v3  }
0x13: {  	[sflag:s9] =	ssyncadd.s32 $0xFFFFE000  }
0x14: {  	v17 =	vld.idx.msk [tilespmem:v17+s2+$0x0], $0xffff  }
0x15: {  	v18 =	vld.idx.msk [tilespmem:v18+s2+$0x0], $0xffff  }
0x16: {  	v20 =	vor.u32 s15, v4  }
0x17: {  	v19 =	vld.idx.msk [tilespmem:v19+s2+$0x0], $0xffff;
	_ =	sdelay $0x1  }
0x18: {  	v21 =	vor.u32 s15, v5  }
0x19: {  	vm4 =	vgt.f32 v17, v18  }
0x1a: {  	v20 =	vld.idx.msk [tilespmem:v20+s2+$0x0], $0xffff;
	v23 =	vsel vm4, v18, v17  }
0x1b: {  	v17 =	vsel vm4, v17, v18;
	v18 =	vimm.s32 $0x0;
	vm0 =	vgt.f32 v19, v23  }
0x1c: {  	v22 =	vor.u32 s15, v6;
	v18 =	vsel vm0, $0xFFFFFFFF, v18  }
0x1d: {  	vm6 =	vgt.f32 v19, v17;
	[tilespmem:$0x1FF50] =	vst v18;
	v18 =	vld.idx.msk [tilespmem:v21+s2+$0x0], $0xffff;
	v21 =	vsel vm0, v19, v23  }
0x1e: {  	v23 =	vor.u32 s15, v7;
	v21 =	vsel vm6, v17, v21  }
0x1f: {  	v17 =	vsel vm6, v19, v17;
	v19 =	vimm.s32 $0x0;
	vm5 =	vgt.f32 v20, v21  }
0x20: {  	vm8 =	vgt.f32 v20, v17;
	v19 =	vsel vm5, $0xFFFFFFFF, v19;
	v21 =	vsel vm5, v20, v21  }
0x21: {  	[tilespmem:$0x1FF60] =	vst v19;
	v19 =	vld.idx.msk [tilespmem:v22+s2+$0x0], $0xffff;
	v21 =	vsel vm8, v17, v21  }
0x22: {  	v17 =	vsel vm8, v20, v17;
	v20 =	vimm.s32 $0x0;
	vm12 =	vgt.f32 v18, v21  }
0x23: {  	v22 =	vor.u32 s15, v8;
	v20 =	vsel vm12, $0xFFFFFFFF, v20  }
0x24: {  	vm5 =	vgt.f32 v18, v17;
	v21 =	vsel vm12, v18, v21;
	[tilespmem:$0x1FF70] =	vst v20;
	v20 =	vld.idx.msk [tilespmem:v23+s2+$0x0], $0xffff  }
0x25: {  	v23 =	vor.u32 s15, v9;
	v21 =	vsel vm5, v17, v21  }
0x26: {  	v17 =	vsel vm5, v18, v17;
	v18 =	vimm.s32 $0x0;
	vm13 =	vgt.f32 v19, v21  }
0x27: {  	vm7 =	vgt.f32 v19, v17;
	v18 =	vsel vm13, $0xFFFFFFFF, v18;
	v21 =	vsel vm13, v19, v21  }
0x28: {  	[tilespmem:$0x1FF80] =	vst v18;
	v18 =	vld.idx.msk [tilespmem:v22+s2+$0x0], $0xffff;
	v21 =	vsel vm7, v17, v21  }
0x29: {  	v17 =	vsel vm7, v19, v17;
	v19 =	vimm.s32 $0x0;
	vm14 =	vgt.f32 v20, v21  }
0x2a: {  	v22 =	vor.u32 s15, v10;
	v19 =	vsel vm14, $0xFFFFFFFF, v19  }
0x2b: {  	vm9 =	vgt.f32 v20, v17;
	v21 =	vsel vm14, v20, v21;
	[tilespmem:$0x1FF90] =	vst v19;
	v19 =	vld.idx.msk [tilespmem:v23+s2+$0x0], $0xffff  }
0x2c: {  	v23 =	vor.u32 s15, v11;
	v21 =	vsel vm9, v17, v21  }
0x2d: {  	v17 =	vsel vm9, v20, v17;
	v20 =	vimm.s32 $0x0;
	vm15 =	vgt.f32 v18, v21  }
0x2e: {  	vm11 =	vgt.f32 v18, v17;
	v20 =	vsel vm15, $0xFFFFFFFF, v20;
	v21 =	vsel vm15, v18, v21  }
0x2f: {  	[tilespmem:$0x1FFA0] =	vst v20;
	v20 =	vld.idx.msk [tilespmem:v22+s2+$0x0], $0xffff;
	v21 =	vsel vm11, v17, v21  }
0x30: {  	v17 =	vsel vm11, v18, v17;
	v18 =	vimm.s32 $0x0;
	vm10 =	vgt.f32 v19, v21  }
0x31: {  	v22 =	vor.u32 s15, v12;
	v18 =	vsel vm10, $0xFFFFFFFF, v18  }
0x32: {  	vm13 =	vgt.f32 v19, v17;
	v21 =	vsel vm10, v19, v21;
	[tilespmem:$0x1FFB0] =	vst v18;
	v18 =	vld.idx.msk [tilespmem:v23+s2+$0x0], $0xffff  }
0x33: {  	v23 =	vor.u32 s15, v13;
	v21 =	vsel vm13, v17, v21  }
0x34: {  	v17 =	vsel vm13, v19, v17;
	v19 =	vimm.s32 $0x0;
	vm15 =	vgt.f32 v20, v21  }
0x35: {  	v19 =	vsel vm15, $0xFFFFFFFF, v19;
	v21 =	vsel vm15, v20, v21;
	vm15 =	vgt.f32 v20, v17  }
0x36: {  	[tilespmem:$0x1FFC0] =	vst v19;
	v19 =	vld.idx.msk [tilespmem:v22+s2+$0x0], $0xffff;
	v21 =	vsel vm15, v17, v21  }
0x37: {  	v17 =	vsel vm15, v20, v17;
	v20 =	vimm.s32 $0x0;
	vm10 =	vgt.f32 v18, v21  }
0x38: {  	v22 =	vor.u32 s15, v14;
	v20 =	vsel vm10, $0xFFFFFFFF, v20  }
0x39: {  	vm3 =	vgt.f32 v18, v17;
	v21 =	vsel vm10, v18, v21;
	[tilespmem:$0x1FFD0] =	vst v20;
	v20 =	vld.idx.msk [tilespmem:v23+s2+$0x0], $0xffff  }
0x3a: {  	v23 =	vor.u32 s15, v15;
	v21 =	vsel vm3, v17, v21  }
0x3b: {  	v17 =	vsel vm3, v18, v17;
	v18 =	vimm.s32 $0x0;
	vm12 =	vgt.f32 v19, v21  }
0x3c: {  	vm2 =	vgt.f32 v19, v17;
	v18 =	vsel vm12, $0xFFFFFFFF, v18;
	v21 =	vsel vm12, v19, v21  }
0x3d: {  	[tilespmem:$0x1FFE0] =	vst v18;
	v18 =	vld.idx.msk [tilespmem:v22+s2+$0x0], $0xffff;
	v21 =	vsel vm2, v17, v21  }
0x3e: {  	v17 =	vsel vm2, v19, v17;
	v19 =	vimm.s32 $0x0;
	vm14 =	vgt.f32 v20, v21  }
0x3f: {  	v19 =	vsel vm14, $0xFFFFFFFF, v19  }
0x40: {  	vm1 =	vgt.f32 v20, v17;
	v21 =	vsel vm14, v20, v21;
	[tilespmem:$0x1FFF0] =	vst v19;
	v19 =	vld.idx.msk [tilespmem:v23+s2+$0x0], $0xffff  }
0x41: {  	v22 =	vor.u32 s15, v16;
	v21 =	vsel vm1, v17, v21  }
0x42: {  	v17 =	vsel vm1, v20, v17;
	vm14 =	vgt.f32 v18, v21  }
0x43: {  	vm0 =	vgt.f32 v18, v17;
	v21 =	vsel vm14, v18, v21  }
0x44: {  	v21 =	vsel vm0, v17, v21  }
0x45: {  	vm10 =	vmneg vm4;
	v17 =	vsel vm0, v18, v17;
	v18 =	vld [tilespmem:$0x1FF50];
	vm12 =	vgt.f32 v19, v21  }
0x46: {  	v23 =	vsel vm4, $0x1, v2;
	v20 =	vld.idx.msk [tilespmem:v22+s2+$0x0], $0xffff;
	vm4 =	vgt.f32 v19, v17;
	v21 =	vsel vm12, v19, v21  }
0x47: {  	v21 =	vsel vm4, v17, v21;
	v17 =	vsel vm4, v19, v17;
	v19 =	vld [tilespmem:$0x1FF60];
	_ =	sdelay $0x2  }
0x48: {  	v22 =	vsel vm10, $0x1, v2;
	vm10 =	vnez.u8 v18  }
0x49: {  	v18 =	vsel vm10, $0x2, v22;
	v22 =	vsel vm6, $0x2, v23  }
0x4a: {  	vm10 =	vgt.f32 v20, v21;
	v18 =	vsel vm6, v23, v18;
	vm6 =	vnez.u8 v19  }
0x4b: {  	v19 =	vsel vm10, v20, v21;
	v18 =	vsel vm6, $0x3, v18;
	vm6 =	vgt.f32 v20, v17  }
0x4c: {  	v21 =	vld [tilespmem:$0x1FF70];
	v20 =	vsel vm6, v20, v17;
	v17 =	vsel vm6, v17, v19  }
0x4d: {  	v17 =	vsub.f32 v17, v20;
	v20 =	vld [tilespmem:$0x1FF80];
	_ =	sdelay $0x3  }
0x4e: {  	v18 =	vsel vm8, v22, v18;
	v19 =	vsel vm8, $0x3, v22;
	vm8 =	vnez.u8 v21  }
0x4f: {  	v18 =	vsel vm8, $0x4, v18;
	vm8 =	vnez.u8 v20;
	v20 =	vld [tilespmem:$0x1FF90];
	_ =	sdelay $0x2  }
0x50: {  	v18 =	vsel vm5, v19, v18  }
0x51: {  	v19 =	vsel vm5, $0x4, v19;
	v18 =	vsel vm8, $0x5, v18  }
0x52: {  	v17 =	vmul.f32 $1.442695020e+00, v17;
	v18 =	vsel vm7, v19, v18;
	vm8 =	vnez.u8 v20  }
0x53: {  	v19 =	vsel vm7, $0x5, v19;
	v18 =	vsel vm8, $0x6, v18  }
0x54: {  	(erf) = vpow2.f32 v17;
	v17 =	vsel vm9, v19, v18;
	v18 =	vsel vm9, $0x6, v19;
	v19 =	vld [tilespmem:$0x1FFA0];
	_ =	sdelay $0x4  }
0x55: {  	vm9 =	vnez.u8 v19;
	v19 =	vld [tilespmem:$0x1FFB0];
	_ =	sdelay $0x4  }
0x56: {  	vm8 =	vnez.u8 v19;
	v19 =	vld [tilespmem:$0x1FFC0];
	_ =	sdelay $0x3  }
0x57: {  	v20 =	vld [tilespmem:$0x1FFE0]  }
0x58: {  	v17 =	vsel vm9, $0x7, v17;
	vm9 =	vnez.u8 v19;
	v19 =	vld [tilespmem:$0x1FFD0]  }
0x59: {  	v17 =	vsel vm11, v18, v17  }
0x5a: {  	v18 =	vsel vm11, $0x7, v18;
	v17 =	vsel vm8, $0x8, v17  }
0x5b: {  	v17 =	vsel vm13, v18, v17  }
0x5c: {  	v18 =	vsel vm13, $0x8, v18;
	vm13 =	vnez.u8 v20;
	v20 =	vld [tilespmem:$0x1FFF0];
	v17 =	vsel vm9, $0x9, v17  }
0x5d: {  	v17 =	vsel vm15, v18, v17;
	vm11 =	vnez.u8 v19  }
0x5e: {  	v18 =	vsel vm15, $0x9, v18;
	v17 =	vsel vm11, $0xA, v17  }
0x5f: {  	v17 =	vsel vm3, v18, v17  }
0x60: {  	v19 =	vpop (erf);
	v18 =	vsel vm3, $0xA, v18;
	v17 =	vsel vm13, $0xB, v17  }
0x61: {  	vm15 =	vnez.u8 v20;
	v19 =	vadd.f32 $1.000000000e+00, v19;
	v17 =	vsel vm2, v18, v17  }
0x62: {  	v18 =	vsel vm2, $0xB, v18;
	v17 =	vsel vm15, $0xC, v17  }
0x63: {  	(erf) = vrcp.f32 v19;
	v17 =	vsel vm1, v18, v17  }
0x64: {  	v18 =	vsel vm1, $0xC, v18;
	v17 =	vsel vm14, $0xD, v17  }
0x65: {  	v17 =	vsel vm0, v18, v17  }
0x66: {  	v18 =	vsel vm0, $0xD, v18;
	v17 =	vsel vm12, $0xE, v17  }
0x67: {  	v17 =	vsel vm4, v18, v17  }
0x68: {  	s30 =	simm.s32 $0x10;
	s19 =	simm.s32 $0x100;
	v18 =	vsel vm4, $0xE, v18;
	v17 =	vsel vm10, $0xF, v17  }
0x69: {  	s31 =	sand.u32 $0x1800, s19;
	s15 =	sand.u32 $0x70, s30;
	v19 =	vsel vm6, $0xF, v18;
	v18 =	vsel vm6, v18, v17  }
0x6a: {  	s23 =	sor.u32 s15, s31  }
0x6b: {  	v25 =	vor.u32 s23, v0;
	v26 =	vor.u32 s23, v3;
	v24 =	vor.u32 s23, v5;
	[tilespmem:s10+$0x0] =	vst v19  }
0x6c: {  	s24 =	simm.s32 $0x20;
	s17 =	simm.s32 $0x2010;
	s18 =	simm.s32 $0x2400;
	v23 =	vor.u32 s23, v6;
	v22 =	vor.u32 s23, v7;
	v17 =	vor.u32 s23, v1;
	[tilespmem:s11+$0x0] =	vst v18;
	v18 =	vpop (erf)  }
0x6d: {  	s20 =	simm.s32 $0x2600;
	s16 =	simm.s32 $0x2600;
	s15 =	simm.s32 $0x2210;
	v21 =	vor.u32 s23, v8;
	v20 =	vor.u32 s23, v9;
	[tilespmem:s12+$0x0] =	vst v18;
	v27 =	vsub.f32 $1.000000000e+00, v18  }
.LBB2_2:
0x6e: {  	s16 =	sadd.s32 $0x10, s16  }
0x6f: {  	v28 =	vor.u32 s23, v10;
	v29 =	vor.u32 s23, v11;
	v30 =	vor.u32 s23, v12;
	s18 =	sadd.s32 $0x10, s18;
	s22 =	smov.u32 s24;
	s21 =	sadd.s32 $0x10, s24  }
0x70: {  	p0 =	sne.s32 s24, $0x1F0;
	v31 =	vor.u32 s23, v13;
	v19 =	vor.u32 s23, v14;
	v18 =	vor.u32 s23, v15;
	[tilespmem:s20+$0x0] =	vst v27;
	s20 =	smov.u32 s16  }
0x71: {  	v32 =	vor.u32 s23, v4;
	v27 =	vld.idx.msk [tilespmem:v17+s2+$0x0], $0xffff;
	v17 =	vor.u32 s23, v16  }
0x72: {  	v25 =	vld.idx.msk [tilespmem:v25+s2+$0x0], $0xffff  }
0x73: {  	v26 =	vld.idx.msk [tilespmem:v26+s2+$0x0], $0xffff;
	_ =	sdelay $0x2  }
0x74: {  	v32 =	vld.idx.msk [tilespmem:v32+s2+$0x0], $0xffff;
	_ =	sdelay $0x1  }
0x75: {  	vm0 =	vgt.f32 v27, v25  }
0x76: {  	vm1 =	vmneg vm0;
	v33 =	vsel vm0, v27, v25;
	v25 =	vsel vm0, v25, v27;
	v24 =	vld.idx.msk [tilespmem:v24+s2+$0x0], $0xffff  }
0x77: {  	v27 =	vsel vm1, $0x1, v2;
	vm1 =	vgt.f32 v26, v33;
	vm2 =	vgt.f32 v26, v25  }
0x78: {  	v34 =	vsel vm0, $0x1, v2;
	v25 =	vsel vm2, v26, v25;
	v26 =	vsel vm1, v26, v33  }
0x79: {  	v27 =	vsel vm2, $0x2, v27;
	v25 =	vsel vm1, v33, v25;
	vm0 =	vgt.f32 v32, v26;
	v23 =	vld.idx.msk [tilespmem:v23+s2+$0x0], $0xffff  }
0x7a: {  	v27 =	vsel vm1, v34, v27;
	vm2 =	vgt.f32 v32, v25;
	v33 =	vsel vm0, v32, v26  }
0x7b: {  	v34 =	vsel vm1, $0x2, v34;
	v25 =	vsel vm2, v32, v25;
	v27 =	vsel vm2, $0x3, v27  }
0x7c: {  	v25 =	vsel vm0, v26, v25;
	v26 =	vsel vm0, v34, v27;
	v27 =	vsel vm0, $0x3, v34;
	v22 =	vld.idx.msk [tilespmem:v22+s2+$0x0], $0xffff  }
0x7d: {  	vm0 =	vgt.f32 v24, v33;
	vm1 =	vgt.f32 v24, v25  }
0x7e: {  	v25 =	vsel vm1, v24, v25;
	v26 =	vsel vm1, $0x4, v26;
	v24 =	vsel vm0, v24, v33  }
0x7f: {  	v25 =	vsel vm0, v33, v25;
	v26 =	vsel vm0, v27, v26;
	v21 =	vld.idx.msk [tilespmem:v21+s2+$0x0], $0xffff  }
0x80: {  	v27 =	vsel vm0, $0x4, v27;
	vm0 =	vgt.f32 v23, v24;
	vm1 =	vgt.f32 v23, v25  }
0x81: {  	v32 =	vsel vm0, $0x5, v27;
	v25 =	vsel vm1, v23, v25  }
0x82: {  	v26 =	vsel vm1, $0x5, v26;
	v23 =	vsel vm0, v23, v24;
	v25 =	vsel vm0, v24, v25;
	v20 =	vld.idx.msk [tilespmem:v20+s2+$0x0], $0xffff  }
0x83: {  	v24 =	vsel vm0, v27, v26;
	vm0 =	vgt.f32 v22, v23;
	vm1 =	vgt.f32 v22, v25  }
0x84: {  	v25 =	vsel vm1, v22, v25;
	v24 =	vsel vm1, $0x6, v24;
	v22 =	vsel vm0, v22, v23  }
0x85: {  	v23 =	vsel vm0, v23, v25;
	v24 =	vsel vm0, v32, v24;
	v25 =	vsel vm0, $0x6, v32;
	v26 =	vld.idx.msk [tilespmem:v28+s2+$0x0], $0xffff  }
0x86: {  	vm0 =	vgt.f32 v21, v22;
	vm1 =	vgt.f32 v21, v23  }
0x87: {  	v23 =	vsel vm1, v21, v23;
	v24 =	vsel vm1, $0x7, v24;
	v21 =	vsel vm0, v21, v22  }
0x88: {  	v22 =	vsel vm0, v22, v23;
	v23 =	vsel vm0, v25, v24  }
0x89: {  	v24 =	vsel vm0, $0x7, v25;
	vm0 =	vgt.f32 v20, v21;
	vm1 =	vgt.f32 v20, v22;
	v25 =	vld.idx.msk [tilespmem:v29+s2+$0x0], $0xffff  }
0x8a: {  	v22 =	vsel vm1, v20, v22;
	v23 =	vsel vm1, $0x8, v23;
	v20 =	vsel vm0, v20, v21  }
0x8b: {  	v21 =	vsel vm0, v21, v22;
	v22 =	vsel vm0, v24, v23  }
0x8c: {  	vm1 =	vgt.f32 v26, v20;
	vm2 =	vgt.f32 v26, v21;
	v23 =	vld.idx.msk [tilespmem:v30+s2+$0x0], $0xffff  }
0x8d: {  	v21 =	vsel vm2, v26, v21;
	v22 =	vsel vm2, $0x9, v22;
	v26 =	vsel vm1, v26, v20  }
0x8e: {  	v20 =	vsel vm1, v20, v21  }
0x8f: {  	v21 =	vsel vm0, $0x8, v24;
	vm0 =	vgt.f32 v25, v26;
	vm2 =	vgt.f32 v25, v20;
	v24 =	vld.idx.msk [tilespmem:v31+s2+$0x0], $0xffff  }
0x90: {  	v22 =	vsel vm1, v21, v22;
	v20 =	vsel vm2, v25, v20;
	v25 =	vsel vm0, v25, v26  }
0x91: {  	v21 =	vsel vm1, $0x9, v21;
	v22 =	vsel vm2, $0xA, v22;
	v20 =	vsel vm0, v26, v20  }
0x92: {  	v26 =	vsel vm0, $0xA, v21;
	vm1 =	vgt.f32 v23, v25;
	vm2 =	vgt.f32 v23, v20;
	v19 =	vld.idx.msk [tilespmem:v19+s2+$0x0], $0xffff  }
0x93: {  	v21 =	vsel vm0, v21, v22;
	v20 =	vsel vm2, v23, v20;
	v22 =	vsel vm1, v23, v25  }
0x94: {  	v21 =	vsel vm2, $0xB, v21;
	v23 =	vsel vm1, $0xB, v26;
	v20 =	vsel vm1, v25, v20  }
0x95: {  	v21 =	vsel vm1, v26, v21;
	vm0 =	vgt.f32 v24, v22;
	vm1 =	vgt.f32 v24, v20;
	v18 =	vld.idx.msk [tilespmem:v18+s2+$0x0], $0xffff  }
0x96: {  	v20 =	vsel vm1, v24, v20;
	v21 =	vsel vm1, $0xC, v21  }
0x97: {  	v20 =	vsel vm0, v22, v20;
	v21 =	vsel vm0, v23, v21;
	v22 =	vsel vm0, v24, v22  }
0x98: {  	vm1 =	vgt.f32 v19, v22;
	vm2 =	vgt.f32 v19, v20;
	v17 =	vld.idx.msk [tilespmem:v17+s2+$0x0], $0xffff  }
0x99: {  	v20 =	vsel vm2, v19, v20;
	v21 =	vsel vm2, $0xD, v21  }
0x9a: {  	v19 =	vsel vm1, v19, v22;
	v20 =	vsel vm1, v22, v20  }
0x9b: {  	v22 =	vsel vm0, $0xC, v23;
	vm0 =	vgt.f32 v18, v19;
	vm2 =	vgt.f32 v18, v20  }
0x9c: {  	v23 =	vsel vm1, $0xD, v22;
	v20 =	vsel vm2, v18, v20;
	v18 =	vsel vm0, v18, v19  }
0x9d: {  	v21 =	vsel vm1, v22, v21;
	v19 =	vsel vm0, v19, v20;
	v20 =	vsel vm0, $0xE, v23  }
0x9e: {  	v21 =	vsel vm2, $0xE, v21;
	vm1 =	vgt.f32 v17, v18;
	vm2 =	vgt.f32 v17, v19  }
0x9f: {  	v21 =	vsel vm0, v23, v21;
	v19 =	vsel vm2, v17, v19;
	v17 =	vsel vm1, v17, v18  }
0xa0: {  	v18 =	vsel vm1, v18, v19;
	v19 =	vsel vm2, $0xF, v21;
	v21 =	vsel vm1, $0xF, v20  }
0xa1: {  	v19 =	vsel vm1, v20, v19;
	v17 =	vsub.f32 v18, v17;
	[tilespmem:s17+$0x0] =	vst v21  }
0xa2: {  	[tilespmem:s15+$0x0] =	vst v19  }
0xa3: {  	v17 =	vmul.f32 $1.442695020e+00, v17;
	_ =	sdelay $0x1  }
0xa4: {  	(erf) = vpow2.f32 v17;
	_ =	sdelay $0x8  }
0xa5: {  	v17 =	vpop (erf)  }
0xa6: {  	v17 =	vadd.f32 $1.000000000e+00, v17;
	_ =	sdelay $0x1  }
0xa7: {  	(erf) = vrcp.f32 v17;
	_ =	sdelay $0x4  }
0xa8: {  	s19 =	sadd.s32 $0x100, s19  }
.Ltmp0:
0xa9: {  	s22 =	sand.u32 $0x70, s22;
	s23 =	sand.u32 $0x1800, s19;
	(pc) =	sbr.rel @p0 .LBB2_2-.Ltmp0, $4  }
0xaa: {  	s23 =	sor.u32 s22, s23  }
0xab: {  	v25 =	vor.u32 s23, v0;
	v26 =	vor.u32 s23, v3;
	v17 =	vor.u32 s23, v1  }
0xac: {  	v24 =	vor.u32 s23, v5;
	v22 =	vor.u32 s23, v7;
	v21 =	vor.u32 s23, v8;
	v18 =	vpop (erf)  }
0xad: {  	s24 =	smov.u32 s21;
	v23 =	vor.u32 s23, v6;
	v20 =	vor.u32 s23, v9;
	s17 =	sadd.s32 $0x10, s17;
	s15 =	sadd.s32 $0x10, s15;
	[tilespmem:s18+$0x0] =	vst v18;
	v27 =	vsub.f32 $1.000000000e+00, v18  }
0xae: {  	_ =	sdelay $0x2  }
0xaf: {  	[tilespmem:s20+$0x0] =	vst v27  }
0xb0: {  	v17 =	vld.idx.msk [tilespmem:v17+s2+$0x0], $0xffff  }
0xb1: {  	v19 =	vld.idx.msk [tilespmem:v25+s2+$0x0], $0xffff  }
0xb2: {  	v18 =	vor.u32 s23, v4  }
0xb3: {  	v37 =	vld.idx.msk [tilespmem:v26+s2+$0x0], $0xffff;
	_ =	sdelay $0x2  }
0xb4: {  	vm6 =	vgt.f32 v17, v19  }
0xb5: {  	v18 =	vld.idx.msk [tilespmem:v18+s2+$0x0], $0xffff;
	v38 =	vsel vm6, v19, v17  }
0xb6: {  	v17 =	vsel vm6, v17, v19;
	v19 =	vimm.s32 $0x0;
	vm0 =	vgt.f32 v37, v38  }
0xb7: {  	v19 =	vsel vm0, $0xFFFFFFFF, v19  }
0xb8: {  	vm12 =	vgt.f32 v37, v17;
	v39 =	vsel vm0, v37, v38;
	[tilespmem:$0x1FE90] =	vst v19;
	v19 =	vld.idx.msk [tilespmem:v24+s2+$0x0], $0xffff  }
0xb9: {  	v24 =	vsel vm12, v17, v39  }
0xba: {  	v17 =	vsel vm12, v37, v17;
	vm4 =	vgt.f32 v18, v24  }
0xbb: {  	v23 =	vld.idx.msk [tilespmem:v23+s2+$0x0], $0xffff;
	vm10 =	vgt.f32 v18, v17;
	v24 =	vsel vm4, v18, v24  }
0xbc: {  	v24 =	vsel vm10, v17, v24  }
0xbd: {  	v17 =	vsel vm10, v18, v17;
	v18 =	vimm.s32 $0x0;
	vm5 =	vgt.f32 v19, v24  }
0xbe: {  	vm8 =	vgt.f32 v19, v17;
	v18 =	vsel vm5, $0xFFFFFFFF, v18;
	v41 =	vsel vm5, v19, v24  }
0xbf: {  	[tilespmem:$0x1FEB0] =	vst v18;
	v18 =	vld.idx.msk [tilespmem:v22+s2+$0x0], $0xffff;
	v22 =	vsel vm8, v17, v41  }
0xc0: {  	v17 =	vsel vm8, v19, v17;
	v19 =	vimm.s32 $0x0;
	vm13 =	vgt.f32 v23, v22  }
0xc1: {  	v19 =	vsel vm13, $0xFFFFFFFF, v19  }
0xc2: {  	vm7 =	vgt.f32 v23, v17;
	v42 =	vsel vm13, v23, v22;
	[tilespmem:$0x1FEC0] =	vst v19;
	v19 =	vld.idx.msk [tilespmem:v21+s2+$0x0], $0xffff  }
0xc3: {  	v21 =	vsel vm7, v17, v42  }
0xc4: {  	v43 =	vor.u32 s23, v10;
	v17 =	vsel vm7, v23, v17;
	vm14 =	vgt.f32 v18, v21  }
0xc5: {  	v20 =	vld.idx.msk [tilespmem:v20+s2+$0x0], $0xffff;
	vm9 =	vgt.f32 v18, v17;
	v21 =	vsel vm14, v18, v21  }
0xc6: {  	v40 =	vimm.s32 $0x0;
	v45 =	vor.u32 s23, v11;
	v21 =	vsel vm9, v17, v21  }
0xc7: {  	v17 =	vsel vm9, v18, v17;
	v18 =	vimm.s32 $0x0;
	vm15 =	vgt.f32 v19, v21  }
0xc8: {  	vm11 =	vgt.f32 v19, v17;
	v18 =	vsel vm15, $0xFFFFFFFF, v18;
	v21 =	vsel vm15, v19, v21  }
0xc9: {  	v46 =	vor.u32 s23, v12;
	v25 =	vsel vm4, $0xFFFFFFFF, v40;
	[tilespmem:$0x1FEE0] =	vst v18;
	v18 =	vld.idx.msk [tilespmem:v43+s2+$0x0], $0xffff;
	v21 =	vsel vm11, v17, v21  }
0xca: {  	v17 =	vsel vm11, v19, v17;
	v19 =	vimm.s32 $0x0;
	vm4 =	vgt.f32 v20, v21  }
0xcb: {  	v19 =	vsel vm4, $0xFFFFFFFF, v19  }
0xcc: {  	vm13 =	vgt.f32 v20, v17;
	v21 =	vsel vm4, v20, v21;
	[tilespmem:$0x1FEF0] =	vst v19;
	v19 =	vld.idx.msk [tilespmem:v45+s2+$0x0], $0xffff  }
0xcd: {  	v44 =	vimm.s32 $0x0;
	v47 =	vor.u32 s23, v13;
	v21 =	vsel vm13, v17, v21  }
0xce: {  	v48 =	vimm.s32 $0x0;
	v17 =	vsel vm13, v20, v17;
	vm5 =	vgt.f32 v18, v21  }
0xcf: {  	v50 =	vor.u32 s23, v14;
	v49 =	vld.idx.msk [tilespmem:v46+s2+$0x0], $0xffff;
	vm15 =	vgt.f32 v18, v17;
	v21 =	vsel vm5, v18, v21  }
0xd0: {  	v23 =	vsel vm14, $0xFFFFFFFF, v44;
	v20 =	vsel vm5, $0xFFFFFFFF, v48;
	v21 =	vsel vm15, v17, v21  }
0xd1: {  	v17 =	vsel vm15, v18, v17;
	v18 =	vimm.s32 $0x0;
	vm14 =	vgt.f32 v19, v21  }
0xd2: {  	vm5 =	vgt.f32 v19, v17;
	v18 =	vsel vm14, $0xFFFFFFFF, v18;
	v21 =	vsel vm14, v19, v21  }
0xd3: {  	[tilespmem:$0x1FF10] =	vst v18;
	v18 =	vld.idx.msk [tilespmem:v47+s2+$0x0], $0xffff;
	v21 =	vsel vm5, v17, v21  }
0xd4: {  	v17 =	vsel vm5, v19, v17;
	v19 =	vimm.s32 $0x0;
	vm4 =	vgt.f32 v49, v21  }
0xd5: {  	v51 =	vor.u32 s23, v15;
	v19 =	vsel vm4, $0xFFFFFFFF, v19  }
0xd6: {  	v21 =	vsel vm4, v49, v21;
	vm4 =	vgt.f32 v49, v17;
	[tilespmem:$0x1FF20] =	vst v19;
	v19 =	vld.idx.msk [tilespmem:v50+s2+$0x0], $0xffff  }
0xd7: {  	v21 =	vsel vm4, v17, v21  }
0xd8: {  	v52 =	vor.u32 s23, v16;
	v17 =	vsel vm4, v49, v17;
	vm14 =	vgt.f32 v18, v21  }
0xd9: {  	v53 =	vimm.s32 $0x0;
	vm3 =	vgt.f32 v18, v17;
	v21 =	vsel vm14, v18, v21  }
0xda: {  	v54 =	vld.idx.msk [tilespmem:v51+s2+$0x0], $0xffff;
	[tilespmem:$0x1FF00] =	vst v20;
	v20 =	vsel vm14, $0xFFFFFFFF, v53;
	v21 =	vsel vm3, v17, v21  }
0xdb: {  	v17 =	vsel vm3, v18, v17;
	v18 =	vimm.s32 $0x0;
	vm14 =	vgt.f32 v19, v21  }
0xdc: {  	v57 =	vld [tilespmem:$0x1FE90];
	v18 =	vsel vm14, $0xFFFFFFFF, v18  }
0xdd: {  	vm2 =	vgt.f32 v19, v17;
	v21 =	vsel vm14, v19, v21;
	[tilespmem:$0x1FF40] =	vst v18;
	v18 =	vld.idx.msk [tilespmem:v52+s2+$0x0], $0xffff  }
0xde: {  	v56 =	vsel vm6, $0x1, v2;
	[tilespmem:$0x1FEA0] =	vst v25;
	v21 =	vsel vm2, v17, v21  }
0xdf: {  	vm0 =	vmneg vm6;
	v59 =	vld [tilespmem:$0x1FEA0];
	v17 =	vsel vm2, v19, v17;
	vm14 =	vgt.f32 v54, v21  }
0xe0: {  	v55 =	vsel vm0, $0x1, v2;
	vm1 =	vgt.f32 v54, v17;
	v19 =	vsel vm14, v54, v21  }
0xe1: {  	vm0 =	vnez.u8 v57;
	v60 =	vld [tilespmem:$0x1FEB0];
	v19 =	vsel vm1, v17, v19;
	v17 =	vsel vm1, v54, v17  }
0xe2: {  	[tilespmem:$0x1FF30] =	vst v20;
	v20 =	vsel vm0, $0x2, v55;
	vm6 =	vgt.f32 v18, v19;
	vm0 =	vgt.f32 v18, v17  }
0xe3: {  	v58 =	vsel vm12, $0x2, v56;
	v61 =	vld [tilespmem:$0x1FEC0];
	v19 =	vsel vm6, v18, v19;
	v18 =	vsel vm0, v18, v17  }
0xe4: {  	v17 =	vsel vm0, v17, v19;
	v19 =	vsel vm12, v56, v20;
	vm12 =	vnez.u8 v59  }
0xe5: {  	v19 =	vsel vm12, $0x3, v19  }
0xe6: {  	v17 =	vsub.f32 v17, v18;
	vm12 =	vnez.u8 v60;
	v18 =	vsel vm10, v58, v19  }
0xe7: {  	v19 =	vsel vm10, $0x3, v58;
	v18 =	vsel vm12, $0x4, v18  }
0xe8: {  	v17 =	vmul.f32 $1.442695020e+00, v17;
	vm12 =	vnez.u8 v61;
	v18 =	vsel vm8, v19, v18  }
0xe9: {  	[tilespmem:$0x1FED0] =	vst v23;
	v19 =	vsel vm8, $0x4, v19;
	v18 =	vsel vm12, $0x5, v18  }
0xea: {  	(erf) = vpow2.f32 v17;
	v17 =	vsel vm7, v19, v18;
	v18 =	vsel vm7, $0x5, v19;
	v19 =	vld [tilespmem:$0x1FED0];
	_ =	sdelay $0x4  }
0xeb: {  	vm10 =	vnez.u8 v19;
	v19 =	vld [tilespmem:$0x1FEE0];
	_ =	sdelay $0x4  }
0xec: {  	vm12 =	vnez.u8 v19;
	v19 =	vld [tilespmem:$0x1FEF0];
	_ =	sdelay $0x3  }
0xed: {  	v17 =	vsel vm10, $0x6, v17  }
0xee: {  	v17 =	vsel vm9, v18, v17;
	v18 =	vsel vm9, $0x6, v18;
	vm9 =	vnez.u8 v19;
	v19 =	vld [tilespmem:$0x1FF00];
	_ =	sdelay $0x4  }
0xef: {  	vm10 =	vnez.u8 v19;
	v19 =	vpop (erf)  }
0xf0: {  	v19 =	vadd.f32 $1.000000000e+00, v19  }
0xf1: {  	v62 =	vld [tilespmem:$0x1FF10];
	v17 =	vsel vm12, $0x7, v17  }
0xf2: {  	v17 =	vsel vm11, v18, v17;
	(erf) = vrcp.f32 v19;
	v19 =	vld [tilespmem:$0x1FF30]  }
0xf3: {  	v63 =	vld [tilespmem:$0x1FF20];
	v18 =	vsel vm11, $0x7, v18;
	v17 =	vsel vm9, $0x8, v17  }
0xf4: {  	v17 =	vsel vm13, v18, v17  }
0xf5: {  	v18 =	vsel vm13, $0x8, v18;
	v17 =	vsel vm10, $0x9, v17  }
0xf6: {  	vm11 =	vnez.u8 v62;
	v17 =	vsel vm15, v18, v17  }
0xf7: {  	v18 =	vsel vm15, $0x9, v18;
	v17 =	vsel vm11, $0xA, v17;
	vm13 =	vnez.u8 v19;
	v19 =	vld [tilespmem:$0x1FF40]  }
0xf8: {  	vm12 =	vnez.u8 v63;
	v17 =	vsel vm5, v18, v17  }
0xf9: {  	v18 =	vsel vm5, $0xA, v18;
	v17 =	vsel vm12, $0xB, v17  }
0xfa: {  	v17 =	vsel vm4, v18, v17  }
0xfb: {  	v18 =	vsel vm4, $0xB, v18;
	v17 =	vsel vm13, $0xC, v17  }
0xfc: {  	v17 =	vsel vm3, v18, v17;
	vm15 =	vnez.u8 v19  }
0xfd: {  	v18 =	vsel vm3, $0xC, v18;
	v17 =	vsel vm15, $0xD, v17  }
0xfe: {  	v17 =	vsel vm2, v18, v17;
	v18 =	vsel vm2, $0xD, v18  }
0xff: {  	v17 =	vsel vm14, $0xE, v17;
	v19 =	vsel vm1, $0xE, v18  }
0x100: {  	v17 =	vsel vm1, v18, v17;
	v18 =	vsel vm0, $0xF, v19;
	_ =	sdelay $0x1  }
0x101: {  	v17 =	vsel vm6, $0xF, v17  }
0x102: {  	[tilespmem:s17+$0x0] =	vst v18;
	v17 =	vsel vm0, v19, v17;
	v18 =	vpop (erf)  }
0x103: {  	s30 =	sadd.s32 $0x10, s18;
	[tilespmem:s15+$0x0] =	vst v17;
	v17 =	vsub.f32 $1.000000000e+00, v18  }
0x104: {  	s31 =	sadd.s32 $0x10, s16;
	[tilespmem:s30+$0x0] =	vst v18  }
0x105: {  	[tilespmem:s31+$0x0] =	vst v17  }
0x106: {  	[hbm4b:s4+s2] =	stream.linear.scatter [tilespmem:s10], [sflag:$0x1], $0x200, $0x38;
	[tilespmem:$0x2800] =	vst v63  }
0x107: {  	_ =	swait.ge [sflag:s9], $0x200  }
0x108: {  	[sflag:s9] =	ssyncset.done $0x0  }
0x109: {  	[sflag:s9] =	ssyncadd.s32 $0xFFFFFE00  }
0x10a: {  	[hbm4b:s5+s2] =	stream.linear.scatter [tilespmem:s11], [sflag:$0x1], $0x200, $0x38;
	[tilespmem:$0x2800] =	vst v63  }
0x10b: {  	_ =	swait.ge [sflag:s9], $0x200  }
0x10c: {  	[sflag:s9] =	ssyncset.done $0x0  }
0x10d: {  	[sflag:s9] =	ssyncadd.s32 $0xFFFFFE00  }
0x10e: {  	[hbm4b:s6+s2] =	stream.linear.scatter [tilespmem:s12], [sflag:$0x1], $0x200, $0x38;
	[tilespmem:$0x2800] =	vst v63  }
0x10f: {  	s14 =	sadd.s32 $0x1, s14;
	_ =	swait.ge [sflag:s9], $0x200  }
0x110: {  	p0 =	sne.s32 s14, s8;
	[sflag:s9] =	ssyncset.done $0x0  }
.Ltmp1:
0x111: {  	[sflag:s9] =	ssyncadd.s32 $0xFFFFFE00;
	(pc) =	sbr.rel @p0 .LBB2_1-.Ltmp1, $4  }
0x112: {  	[hbm4b:s7+s2] =	stream.linear.scatter [tilespmem:s13], [sflag:$0x1], $0x200, $0x38;
	[tilespmem:$0x2800] =	vst v63  }
0x113: {  	_ =	swait.ge [sflag:s9], $0x200  }
0x114: {  	[sflag:s9] =	ssyncset.done $0x0  }
0x115: {  	[sflag:s9] =	ssyncadd.s32 $0xFFFFFE00  }
0x116: {  	_ =	sfence.sel $0x180000  }
0x117: {  	[bflag:$0x0] =	sbarrier.arrive $0xFFFF  }
0x118: {  	p0 =	sne.s32 s1, $0x0;
	_ =	strace $0x90000047  }
0x119: {  	s0 =	sadd.s32 @!p0 $0x100000, s0;
	[bflag:$0x2] =	sbarrier.arrive $0xFFFF  }
0x11a: {  	[sflag:s0] =	ssyncadd.tile.s32 @!p0 $0x1;
	_ =	shalt  }
.Lfunc_end2:
_tile_overlayer_lowered:
.L_overlay_start_2:
0x11b: {  	(tag) =	ssettag $0x2  }
0x11c: {  	s0 =	rddreg [dreg:$0x0];
	s2 =	stileid.u32  }
0x11d: {  	s1 =	rddreg [dreg:$0x1];
	p0 =	sne.s32 s2, $0x0  }
0x11e: {  	s3 =	rddreg [dreg:$0x2];
	[bflag:$0x3] =	sbarrier.arrive $0xFFFF;
	s2 =	simm.s32 @!p0 $0x1C01  }
0x11f: {  	[timem:s3], [sflag:s2] =	dma.local @!p0 [hbm:s0], s1  }
0x120: {  	s0 =	simm.s32 @!p0 $0x1  }
0x121: {  	_ =	swait.ge @!p0 [sflag:s0], s1  }
0x122: {  	s1 =	ssub.s32 @!p0 $0x0, s1;
	[sflag:s0] =	ssyncset.done @!p0 $0x0  }
0x123: {  	[sflag:s0] =	ssyncadd.s32 @!p0 s1  }
0x124: {  	[bflag:$0x3] =	sbarrier.arrive $0xFFFF  }
0x125: {  	_ =	shalt  }

</sc_bundles>
